<compile_context>
chip_gen: v7x
topology: tpu7x:2x2x1
jax: 0.10.2.dev20260603
libtpu: 0.0.44.dev20260713+nightly
codegen_flags: <defaults>
</compile_context>

<pallas_src>
import functools

import jax
import jax.numpy as jnp
from jax import lax
from jax.experimental import pallas as pl
from jax.experimental.pallas import tpu as pltpu
from jax.experimental.pallas import tpu_sc as plsc

NUM_POINTS = 65536
H = 512
W = 512
NC = 2
NS = 16
NW = NC * NS
PTS_PER_W = NUM_POINTS // NW
ROWS_PER_W = H // NW
PIX_PER_W = ROWS_PER_W * W
SLAB = 3 * PIX_PER_W
LANES = 16
SENTINEL = 1 << 20


TC_BLK = 8192
TC_GRID = NUM_POINTS // TC_BLK


def _project_body(par_ref, r_ref, pos_ref, pix_ref):
    cam = jnp.dot(r_ref[...], pos_ref[...], preferred_element_type=jnp.float32)
    t0, t1, t2 = par_ref[9], par_ref[10], par_ref[11]
    fx, fy, cx, cy = par_ref[12], par_ref[13], par_ref[14], par_ref[15]
    xc = cam[0:1, :] + t0
    yc = cam[1:2, :] + t1
    zc = cam[2:3, :] + t2
    u = fx * xc / zc + cx
    v = fy * yc / zc + cy
    uf = jnp.trunc(u)
    vf = jnp.trunc(v)
    mask = (uf >= 0.0) & (uf < float(W)) & (vf >= 0.0) & (vf < float(H))
    ui = jnp.where(mask, uf, 0.0).astype(jnp.int32)
    vi = jnp.where(mask, vf, 0.0).astype(jnp.int32)
    pix_ref[...] = jnp.where(mask, vi * W + ui, SENTINEL)


_project = pl.pallas_call(
    _project_body,
    grid=(TC_GRID,),
    out_shape=jax.ShapeDtypeStruct((1, NUM_POINTS), jnp.int32),
    in_specs=[
        pl.BlockSpec(memory_space=pltpu.SMEM),
        pl.BlockSpec((8, 8), lambda i: (0, 0)),
        pl.BlockSpec((8, TC_BLK), lambda i: (0, i)),
    ],
    out_specs=pl.BlockSpec((1, TC_BLK), lambda i: (0, i)),
)


CHUNK = 4096
NCHUNK = NUM_POINTS // CHUNK

_mesh = plsc.VectorSubcoreMesh(
    core_axis_name="c", subcore_axis_name="s", num_cores=NC, num_subcores=NS
)


@functools.partial(
    pl.kernel,
    out_type=jax.ShapeDtypeStruct((3 * H * W,), jnp.float32),
    mesh=_mesh,
    scratch_types=[
        pltpu.VMEM((SLAB,), jnp.float32),
        pltpu.VMEM((CHUNK,), jnp.int32),
        pltpu.VMEM((CHUNK,), jnp.int32),
        pltpu.VMEM((3 * CHUNK,), jnp.float32),
        pltpu.VMEM((3 * CHUNK,), jnp.float32),
        pltpu.SemaphoreType.DMA,
        pltpu.SemaphoreType.DMA,
    ],
    compiler_params=pltpu.CompilerParams(needs_layout_passes=False),
)
def _scatter(pix_hbm, col_hbm, zer_hbm, img_hbm, img_v,
             pix0, pix1, col0, col1, sem0, sem1):
    w = lax.axis_index("s") * NC + lax.axis_index("c")
    pix_base = w * PIX_PER_W

    def copies(k, pix_v, col_v, sem):
        cbase = k * CHUNK
        yield pltpu.make_async_copy(
            pix_hbm.at[pl.ds(cbase, CHUNK)], pix_v, sem)
        for c in range(3):
            yield pltpu.make_async_copy(
                col_hbm.at[pl.ds(c * NUM_POINTS + cbase, CHUNK)],
                col_v.at[pl.ds(c * CHUNK, CHUNK)], sem)

    def start(k, pix_v, col_v, sem):
        for cp in copies(k, pix_v, col_v, sem):
            cp.start()

    def wait(k, pix_v, col_v, sem):
        for cp in copies(k, pix_v, col_v, sem):
            cp.wait()

    UNROLL = 8

    def process(pix_v, col_v):
        def group_body(g, _):
            o = g * (LANES * UNROLL)
            locs, ms = [], []
            for i in range(UNROLL):
                p = pix_v[pl.ds(o + i * LANES, LANES)]
                loc = p - pix_base
                locs.append(loc)
                ms.append((loc >= 0) & (loc < PIX_PER_W))
            any_m = ms[0]
            for i in range(1, UNROLL):
                any_m = any_m | ms[i]
            cnt = plsc.all_reduce_population_count(any_m)

            @pl.when(cnt[0] > 0)
            def _():
                for i in range(UNROLL):
                    locc = jnp.where(ms[i], locs[i], 0)
                    for c in range(3):
                        vals = col_v[pl.ds(c * CHUNK + o + i * LANES, LANES)]
                        plsc.store_scatter(
                            img_v, [locc + c * PIX_PER_W], vals, mask=ms[i])

            return 0

        lax.fori_loop(0, CHUNK // (LANES * UNROLL), group_body, 0)

    start(0, pix0, col0, sem0)
    pltpu.sync_copy(zer_hbm, img_v)

    def chunk_pair(j, _):
        k0 = 2 * j
        wait(k0, pix0, col0, sem0)
        start(k0 + 1, pix1, col1, sem1)
        process(pix0, col0)
        wait(k0 + 1, pix1, col1, sem1)

        @pl.when(k0 + 2 < NCHUNK)
        def _():
            start(k0 + 2, pix0, col0, sem0)

        process(pix1, col1)
        return 0

    lax.fori_loop(0, NCHUNK // 2, chunk_pair, 0)

    for c in range(3):
        pltpu.sync_copy(
            img_v.at[pl.ds(c * PIX_PER_W, PIX_PER_W)],
            img_hbm.at[pl.ds(c * H * W + pix_base, PIX_PER_W)],
        )


def kernel(camera_pose, intrinsics, positions, colors):
    pos_t = jnp.pad(positions.T, ((0, 5), (0, 0)))
    r_pad = jnp.pad(camera_pose[:3, :3], ((0, 5), (0, 5)))
    col_t = colors.T.reshape(-1)
    params = jnp.stack(
        [
            camera_pose[0, 0], camera_pose[0, 1], camera_pose[0, 2],
            camera_pose[1, 0], camera_pose[1, 1], camera_pose[1, 2],
            camera_pose[2, 0], camera_pose[2, 1], camera_pose[2, 2],
            camera_pose[0, 3], camera_pose[1, 3], camera_pose[2, 3],
            intrinsics[0, 0], intrinsics[1, 1], intrinsics[0, 2], intrinsics[1, 2],
        ]
    )
    pix = _project(params, r_pad, pos_t).reshape(-1)
    zeros = jnp.zeros((SLAB,), jnp.float32)
    img = _scatter(pix, col_t, zeros)
    return img.reshape(1, 3, H, W)

# --- scband reference (transcript-rebuilt; emitter-appended) ---
"""Pipeline reference for scband-gaussian-scene-43542378447305 (READ-ONLY COPY).

The authoritative reference and input builder live on the scoring server;
editing this copy changes nothing except your own understanding.
"""

import jax, jax.numpy as jnp
import numpy as np

NUM_POINTS = 65536
RADIUS = 2.5
H = 512
W = 512


def setup_inputs(seed: int = 0) -> dict:
    key = jax.random.key(seed)
    k1, k2, k3, k4, k5, k6 = jax.random.split(key, 6)
    phi = jax.random.uniform(k1, (NUM_POINTS,), dtype=jnp.float32) * 2.0 * np.pi
    costheta = jax.random.uniform(k2, (NUM_POINTS,), dtype=jnp.float32) * 2.0 - 1.0
    uu = jax.random.uniform(k3, (NUM_POINTS,), dtype=jnp.float32)
    theta = jnp.arccos(costheta)
    r = RADIUS * uu ** (1.0 / 3.0)
    px = r * jnp.sin(theta) * jnp.cos(phi)
    py = r * jnp.sin(theta) * jnp.sin(phi)
    pz = r * jnp.cos(theta)
    positions = jnp.stack([px, py, pz], axis=-1)
    colors = jax.random.uniform(k4, (NUM_POINTS, 3), dtype=jnp.float32)
    camera_pose = jax.random.normal(k5, (4, 4), dtype=jnp.float32)
    intrinsics = jax.random.normal(k6, (3, 3), dtype=jnp.float32)
    return {"camera_pose": camera_pose, "intrinsics": intrinsics, "positions": positions, "colors": colors}


def reference(camera_pose, intrinsics, positions, colors):
    R = camera_pose[:3, :3]
    t = camera_pose[:3, 3:]
    points_cam = (R @ positions.T).T + t.T
    fx = intrinsics[0, 0]
    fy = intrinsics[1, 1]
    cx = intrinsics[0, 2]
    cy = intrinsics[1, 2]
    x = points_cam[:, 0]
    y = points_cam[:, 1]
    z = points_cam[:, 2]
    u = fx * x / z + cx
    v = fy * y / z + cy
    # int() in the torch loop truncates toward zero
    uf = jnp.trunc(u)
    vf = jnp.trunc(v)
    mask = (uf >= 0) & (uf < W) & (vf >= 0) & (vf < H)
    # route masked-out points to an out-of-range index; scatter drops them
    xi = jnp.where(mask, uf, float(W)).astype(jnp.int32)
    yi = jnp.where(mask, vf, float(H)).astype(jnp.int32)
    img_hwc = jnp.zeros((H, W, 3), dtype=jnp.float32)
    img_hwc = img_hwc.at[yi, xi, :].set(colors, mode="drop")
    img = jnp.transpose(img_hwc, (2, 0, 1))[None]  # (1, 3, H, W)
    return jnp.clip(img, 0.0, 1.0)

if __name__ == "__main__":
    import jax
    _d = setup_inputs()
    print(jax.jit(kernel)(*tuple(_d.values())))

</pallas_src>

<mosaic_0001>
#map = affine_map<(d0, d1) -> (0)>
module attributes {stable_mosaic.version = 14 : i64} {
  func.func @_scatter(%arg0: i32, %arg1: i32, %arg2: memref<65536xi32, #tpu.memory_space<hbm>>, %arg3: memref<196608xf32, #tpu.memory_space<hbm>>, %arg4: memref<24576xf32, #tpu.memory_space<hbm>>, %arg5: memref<786432xf32, #tpu.memory_space<hbm>>, %arg6: memref<24576xf32, #tpu.memory_space<vmem>>, %arg7: memref<4096xi32, #tpu.memory_space<vmem>>, %arg8: memref<4096xi32, #tpu.memory_space<vmem>>, %arg9: memref<12288xf32, #tpu.memory_space<vmem>>, %arg10: memref<12288xf32, #tpu.memory_space<vmem>>, %arg11: memref<!tpu.dma_semaphore, #tpu.memory_space<semaphore_mem>>, %arg12: memref<!tpu.dma_semaphore, #tpu.memory_space<semaphore_mem>>) attributes {dimension_semantics = [#tpu.dimension_semantics<core_parallel>, #tpu.dimension_semantics<subcore_parallel>], iteration_bounds = array<i64: 2, 16>, scalar_prefetch = 0 : i64, scratch_operands = 7 : i64, tpu.core_type = #tpu.core_type<sc_vector_subcore>, window_params = [{transform_indices = #map}, {transform_indices = #map}, {transform_indices = #map}, {transform_indices = #map}]} {
    %mul3A = arith.constant 2 : i32
    %mul3A_0 = arith.muli %arg1, %mul3A : i32
    %add3A = arith.addi %mul3A_0, %arg0 : i32
    %mul3A_1 = arith.constant 8192 : i32
    %mul3A_2 = arith.muli %add3A, %mul3A_1 : i32
    %dma_start3A = arith.constant 0 : i32
    %dma_start3A_3 = tpu.memref_slice %arg2[%dma_start3A] : memref<65536xi32, #tpu.memory_space<hbm>> -> memref<4096xi32, #tpu.memory_space<hbm>>
    %dma_start3A_4 = arith.constant 0 : i32
    %dma_start3A_5 = tpu.memref_slice %arg2[%dma_start3A_4] : memref<65536xi32, #tpu.memory_space<hbm>> -> memref<4096xi32, #tpu.memory_space<hbm>>
    tpu.enqueue_dma source(%dma_start3A_5 : memref<4096xi32, #tpu.memory_space<hbm>>) target(%arg7 : memref<4096xi32, #tpu.memory_space<vmem>>) target_semaphore(%arg11 : memref<!tpu.dma_semaphore, #tpu.memory_space<semaphore_mem>>)
    %dma_start3A_6 = arith.constant 0 : i32
    %dma_start3A_7 = tpu.memref_slice %arg9[%dma_start3A_6] : memref<12288xf32, #tpu.memory_space<vmem>> -> memref<4096xf32, #tpu.memory_space<vmem>>
    %dma_start3A_8 = arith.constant 0 : i32
    %dma_start3A_9 = tpu.memref_slice %arg3[%dma_start3A_8] : memref<196608xf32, #tpu.memory_space<hbm>> -> memref<4096xf32, #tpu.memory_space<hbm>>
    %dma_start3A_10 = arith.constant 0 : i32
    %dma_start3A_11 = tpu.memref_slice %arg9[%dma_start3A_10] : memref<12288xf32, #tpu.memory_space<vmem>> -> memref<4096xf32, #tpu.memory_space<vmem>>
    %dma_start3A_12 = arith.constant 0 : i32
    %dma_start3A_13 = tpu.memref_slice %arg3[%dma_start3A_12] : memref<196608xf32, #tpu.memory_space<hbm>> -> memref<4096xf32, #tpu.memory_space<hbm>>
    tpu.enqueue_dma source(%dma_start3A_13 : memref<4096xf32, #tpu.memory_space<hbm>>) target(%dma_start3A_11 : memref<4096xf32, #tpu.memory_space<vmem>>) target_semaphore(%arg11 : memref<!tpu.dma_semaphore, #tpu.memory_space<semaphore_mem>>)
    %dma_start3A_14 = arith.constant 4096 : i32
    %dma_start3A_15 = tpu.memref_slice %arg9[%dma_start3A_14] : memref<12288xf32, #tpu.memory_space<vmem>> -> memref<4096xf32, #tpu.memory_space<vmem>>
    %dma_start3A_16 = arith.constant 65536 : i32
    %dma_start3A_17 = tpu.memref_slice %arg3[%dma_start3A_16] : memref<196608xf32, #tpu.memory_space<hbm>> -> memref<4096xf32, #tpu.memory_space<hbm>>
    %dma_start3A_18 = arith.constant 4096 : i32
    %dma_start3A_19 = tpu.memref_slice %arg9[%dma_start3A_18] : memref<12288xf32, #tpu.memory_space<vmem>> -> memref<4096xf32, #tpu.memory_space<vmem>>
    %dma_start3A_20 = arith.constant 65536 : i32
    %dma_start3A_21 = tpu.memref_slice %arg3[%dma_start3A_20] : memref<196608xf32, #tpu.memory_space<hbm>> -> memref<4096xf32, #tpu.memory_space<hbm>>
    tpu.enqueue_dma source(%dma_start3A_21 : memref<4096xf32, #tpu.memory_space<hbm>>) target(%dma_start3A_19 : memref<4096xf32, #tpu.memory_space<vmem>>) target_semaphore(%arg11 : memref<!tpu.dma_semaphore, #tpu.memory_space<semaphore_mem>>)
    %dma_start3A_22 = arith.constant 8192 : i32
    %dma_start3A_23 = tpu.memref_slice %arg9[%dma_start3A_22] : memref<12288xf32, #tpu.memory_space<vmem>> -> memref<4096xf32, #tpu.memory_space<vmem>>
    %dma_start3A_24 = arith.constant 131072 : i32
    %dma_start3A_25 = tpu.memref_slice %arg3[%dma_start3A_24] : memref<196608xf32, #tpu.memory_space<hbm>> -> memref<4096xf32, #tpu.memory_space<hbm>>
    %dma_start3A_26 = arith.constant 8192 : i32
    %dma_start3A_27 = tpu.memref_slice %arg9[%dma_start3A_26] : memref<12288xf32, #tpu.memory_space<vmem>> -> memref<4096xf32, #tpu.memory_space<vmem>>
    %dma_start3A_28 = arith.constant 131072 : i32
    %dma_start3A_29 = tpu.memref_slice %arg3[%dma_start3A_28] : memref<196608xf32, #tpu.memory_space<hbm>> -> memref<4096xf32, #tpu.memory_space<hbm>>
    tpu.enqueue_dma source(%dma_start3A_29 : memref<4096xf32, #tpu.memory_space<hbm>>) target(%dma_start3A_27 : memref<4096xf32, #tpu.memory_space<vmem>>) target_semaphore(%arg11 : memref<!tpu.dma_semaphore, #tpu.memory_space<semaphore_mem>>)
    "tpu.region"() ({
      %run_scoped3A = tpu.sem_alloc : memref<!tpu.dma_semaphore, #tpu.memory_space<semaphore_mem>>
      tpu.enqueue_dma source(%arg4 : memref<24576xf32, #tpu.memory_space<hbm>>) target(%arg6 : memref<24576xf32, #tpu.memory_space<vmem>>) target_semaphore(%run_scoped3A : memref<!tpu.dma_semaphore, #tpu.memory_space<semaphore_mem>>)
      tpu.wait_dma2 semaphore(%run_scoped3A : memref<!tpu.dma_semaphore, #tpu.memory_space<semaphore_mem>>) src(%arg4 : memref<24576xf32, #tpu.memory_space<hbm>>) dst(%arg6 : memref<24576xf32, #tpu.memory_space<vmem>>)
      tpu.yield
    }) : () -> ()
    %scan3A = arith.constant 0 : i32
    %scan3A_30 = arith.constant 0 : i32
    %scan3A_31 = arith.constant 8 : i32
    %scan3A_32 = arith.addi %scan3A_30, %scan3A_31 : i32
    %scan3A_33 = arith.constant 1 : i32
    %scan3A_34 = scf.for %scan3A_42 = %scan3A_30 to %scan3A_32 step %scan3A_33 iter_args(%scan3A_43 = %scan3A) -> (i32)  : i32 {
      %mul3A_44 = arith.constant 2 : i32
      %mul3A_45 = arith.muli %mul3A_44, %scan3A_42 : i32
      %mul3A_46 = arith.constant 4096 : i32
      %mul3A_47 = arith.muli %mul3A_45, %mul3A_46 : i32
      %dma_wait3A = tpu.memref_slice %arg2[%mul3A_47] : memref<65536xi32, #tpu.memory_space<hbm>> -> memref<4096xi32, #tpu.memory_space<hbm>>
      %dma_wait3A_48 = tpu.memref_slice %arg2[%mul3A_47] : memref<65536xi32, #tpu.memory_space<hbm>> -> memref<4096xi32, #tpu.memory_space<hbm>>
      tpu.wait_dma2 semaphore(%arg11 : memref<!tpu.dma_semaphore, #tpu.memory_space<semaphore_mem>>) src(%dma_wait3A_48 : memref<4096xi32, #tpu.memory_space<hbm>>) dst(%arg7 : memref<4096xi32, #tpu.memory_space<vmem>>)
      %add3A_49 = arith.constant 0 : i32
      %add3A_50 = arith.addi %add3A_49, %mul3A_47 : i32
      %dma_wait3A_51 = arith.constant 0 : i32
      %dma_wait3A_52 = tpu.memref_slice %arg9[%dma_wait3A_51] : memref<12288xf32, #tpu.memory_space<vmem>> -> memref<4096xf32, #tpu.memory_space<vmem>>
      %dma_wait3A_53 = tpu.memref_slice %arg3[%add3A_50] : memref<196608xf32, #tpu.memory_space<hbm>> -> memref<4096xf32, #tpu.memory_space<hbm>>
      %dma_wait3A_54 = arith.constant 0 : i32
      %dma_wait3A_55 = tpu.memref_slice %arg9[%dma_wait3A_54] : memref<12288xf32, #tpu.memory_space<vmem>> -> memref<4096xf32, #tpu.memory_space<vmem>>
      %dma_wait3A_56 = tpu.memref_slice %arg3[%add3A_50] : memref<196608xf32, #tpu.memory_space<hbm>> -> memref<4096xf32, #tpu.memory_space<hbm>>
      tpu.wait_dma2 semaphore(%arg11 : memref<!tpu.dma_semaphore, #tpu.memory_space<semaphore_mem>>) src(%dma_wait3A_56 : memref<4096xf32, #tpu.memory_space<hbm>>) dst(%dma_wait3A_55 : memref<4096xf32, #tpu.memory_space<vmem>>)
      %add3A_57 = arith.constant 65536 : i32
      %add3A_58 = arith.addi %add3A_57, %mul3A_47 : i32
      %dma_wait3A_59 = arith.constant 4096 : i32
      %dma_wait3A_60 = tpu.memref_slice %arg9[%dma_wait3A_59] : memref<12288xf32, #tpu.memory_space<vmem>> -> memref<4096xf32, #tpu.memory_space<vmem>>
      %dma_wait3A_61 = tpu.memref_slice %arg3[%add3A_58] : memref<196608xf32, #tpu.memory_space<hbm>> -> memref<4096xf32, #tpu.memory_space<hbm>>
      %dma_wait3A_62 = arith.constant 4096 : i32
      %dma_wait3A_63 = tpu.memref_slice %arg9[%dma_wait3A_62] : memref<12288xf32, #tpu.memory_space<vmem>> -> memref<4096xf32, #tpu.memory_space<vmem>>
      %dma_wait3A_64 = tpu.memref_slice %arg3[%add3A_58] : memref<196608xf32, #tpu.memory_space<hbm>> -> memref<4096xf32, #tpu.memory_space<hbm>>
      tpu.wait_dma2 semaphore(%arg11 : memref<!tpu.dma_semaphore, #tpu.memory_space<semaphore_mem>>) src(%dma_wait3A_64 : memref<4096xf32, #tpu.memory_space<hbm>>) dst(%dma_wait3A_63 : memref<4096xf32, #tpu.memory_space<vmem>>)
      %add3A_65 = arith.constant 131072 : i32
      %add3A_66 = arith.addi %add3A_65, %mul3A_47 : i32
      %dma_wait3A_67 = arith.constant 8192 : i32
      %dma_wait3A_68 = tpu.memref_slice %arg9[%dma_wait3A_67] : memref<12288xf32, #tpu.memory_space<vmem>> -> memref<4096xf32, #tpu.memory_space<vmem>>
      %dma_wait3A_69 = tpu.memref_slice %arg3[%add3A_66] : memref<196608xf32, #tpu.memory_space<hbm>> -> memref<4096xf32, #tpu.memory_space<hbm>>
      %dma_wait3A_70 = arith.constant 8192 : i32
      %dma_wait3A_71 = tpu.memref_slice %arg9[%dma_wait3A_70] : memref<12288xf32, #tpu.memory_space<vmem>> -> memref<4096xf32, #tpu.memory_space<vmem>>
      %dma_wait3A_72 = tpu.memref_slice %arg3[%add3A_66] : memref<196608xf32, #tpu.memory_space<hbm>> -> memref<4096xf32, #tpu.memory_space<hbm>>
      tpu.wait_dma2 semaphore(%arg11 : memref<!tpu.dma_semaphore, #tpu.memory_space<semaphore_mem>>) src(%dma_wait3A_72 : memref<4096xf32, #tpu.memory_space<hbm>>) dst(%dma_wait3A_71 : memref<4096xf32, #tpu.memory_space<vmem>>)
      %add3A_73 = arith.constant 1 : i32
      %add3A_74 = arith.addi %mul3A_45, %add3A_73 : i32
      %mul3A_75 = arith.constant 4096 : i32
      %mul3A_76 = arith.muli %add3A_74, %mul3A_75 : i32
      %dma_start3A_77 = tpu.memref_slice %arg2[%mul3A_76] : memref<65536xi32, #tpu.memory_space<hbm>> -> memref<4096xi32, #tpu.memory_space<hbm>>
      %dma_start3A_78 = tpu.memref_slice %arg2[%mul3A_76] : memref<65536xi32, #tpu.memory_space<hbm>> -> memref<4096xi32, #tpu.memory_space<hbm>>
      tpu.enqueue_dma source(%dma_start3A_78 : memref<4096xi32, #tpu.memory_space<hbm>>) target(%arg8 : memref<4096xi32, #tpu.memory_space<vmem>>) target_semaphore(%arg12 : memref<!tpu.dma_semaphore, #tpu.memory_space<semaphore_mem>>)
      %add3A_79 = arith.constant 0 : i32
      %add3A_80 = arith.addi %add3A_79, %mul3A_76 : i32
      %dma_start3A_81 = arith.constant 0 : i32
      %dma_start3A_82 = tpu.memref_slice %arg10[%dma_start3A_81] : memref<12288xf32, #tpu.memory_space<vmem>> -> memref<4096xf32, #tpu.memory_space<vmem>>
      %dma_start3A_83 = tpu.memref_slice %arg3[%add3A_80] : memref<196608xf32, #tpu.memory_space<hbm>> -> memref<4096xf32, #tpu.memory_space<hbm>>
      %dma_start3A_84 = arith.constant 0 : i32
      %dma_start3A_85 = tpu.memref_slice %arg10[%dma_start3A_84] : memref<12288xf32, #tpu.memory_space<vmem>> -> memref<4096xf32, #tpu.memory_space<vmem>>
      %dma_start3A_86 = tpu.memref_slice %arg3[%add3A_80] : memref<196608xf32, #tpu.memory_space<hbm>> -> memref<4096xf32, #tpu.memory_space<hbm>>
      tpu.enqueue_dma source(%dma_start3A_86 : memref<4096xf32, #tpu.memory_space<hbm>>) target(%dma_start3A_85 : memref<4096xf32, #tpu.memory_space<vmem>>) target_semaphore(%arg12 : memref<!tpu.dma_semaphore, #tpu.memory_space<semaphore_mem>>)
      %add3A_87 = arith.constant 65536 : i32
      %add3A_88 = arith.addi %add3A_87, %mul3A_76 : i32
      %dma_start3A_89 = arith.constant 4096 : i32
      %dma_start3A_90 = tpu.memref_slice %arg10[%dma_start3A_89] : memref<12288xf32, #tpu.memory_space<vmem>> -> memref<4096xf32, #tpu.memory_space<vmem>>
      %dma_start3A_91 = tpu.memref_slice %arg3[%add3A_88] : memref<196608xf32, #tpu.memory_space<hbm>> -> memref<4096xf32, #tpu.memory_space<hbm>>
      %dma_start3A_92 = arith.constant 4096 : i32
      %dma_start3A_93 = tpu.memref_slice %arg10[%dma_start3A_92] : memref<12288xf32, #tpu.memory_space<vmem>> -> memref<4096xf32, #tpu.memory_space<vmem>>
      %dma_start3A_94 = tpu.memref_slice %arg3[%add3A_88] : memref<196608xf32, #tpu.memory_space<hbm>> -> memref<4096xf32, #tpu.memory_space<hbm>>
      tpu.enqueue_dma source(%dma_start3A_94 : memref<4096xf32, #tpu.memory_space<hbm>>) target(%dma_start3A_93 : memref<4096xf32, #tpu.memory_space<vmem>>) target_semaphore(%arg12 : memref<!tpu.dma_semaphore, #tpu.memory_space<semaphore_mem>>)
      %add3A_95 = arith.constant 131072 : i32
      %add3A_96 = arith.addi %add3A_95, %mul3A_76 : i32
      %dma_start3A_97 = arith.constant 8192 : i32
      %dma_start3A_98 = tpu.memref_slice %arg10[%dma_start3A_97] : memref<12288xf32, #tpu.memory_space<vmem>> -> memref<4096xf32, #tpu.memory_space<vmem>>
      %dma_start3A_99 = tpu.memref_slice %arg3[%add3A_96] : memref<196608xf32, #tpu.memory_space<hbm>> -> memref<4096xf32, #tpu.memory_space<hbm>>
      %dma_start3A_100 = arith.constant 8192 : i32
      %dma_start3A_101 = tpu.memref_slice %arg10[%dma_start3A_100] : memref<12288xf32, #tpu.memory_space<vmem>> -> memref<4096xf32, #tpu.memory_space<vmem>>
      %dma_start3A_102 = tpu.memref_slice %arg3[%add3A_96] : memref<196608xf32, #tpu.memory_space<hbm>> -> memref<4096xf32, #tpu.memory_space<hbm>>
      tpu.enqueue_dma source(%dma_start3A_102 : memref<4096xf32, #tpu.memory_space<hbm>>) target(%dma_start3A_101 : memref<4096xf32, #tpu.memory_space<vmem>>) target_semaphore(%arg12 : memref<!tpu.dma_semaphore, #tpu.memory_space<semaphore_mem>>)
      %scan3A_103 = arith.constant 0 : i32
      %scan3A_104 = arith.constant 0 : i32
      %scan3A_105 = arith.constant 32 : i32
      %scan3A_106 = arith.addi %scan3A_104, %scan3A_105 : i32
      %scan3A_107 = arith.constant 1 : i32
      %scan3A_108 = scf.for %scan3A_152 = %scan3A_104 to %scan3A_106 step %scan3A_107 iter_args(%scan3A_153 = %scan3A_103) -> (i32)  : i32 {
        %mul3A_154 = arith.constant 128 : i32
        %mul3A_155 = arith.muli %scan3A_152, %mul3A_154 : i32
        %add3A_156 = arith.constant 0 : i32
        %add3A_157 = arith.addi %mul3A_155, %add3A_156 : i32
        %get3A = arith.index_cast %add3A_157 : i32 to index
        %get3A_158 = tpu.vector_load %arg7[%get3A] {strides = array<i32>} : memref<4096xi32, #tpu.memory_space<vmem>>, vector<16xi32>,
        %sub3A = vector.broadcast %mul3A_2 : i32 to vector<16xi32>
        %sub3A_159 = arith.subi %get3A_158, %sub3A : vector<16xi32>
        %ge3A = arith.constant 0 : i32
        %ge3A_160 = vector.broadcast %ge3A : i32 to vector<16xi32>
        %ge3A_161 = arith.cmpi sge, %sub3A_159, %ge3A_160 : vector<16xi32>
        %lt3A_162 = arith.constant 8192 : i32
        %lt3A_163 = vector.broadcast %lt3A_162 : i32 to vector<16xi32>
        %lt3A_164 = arith.cmpi slt, %sub3A_159, %lt3A_163 : vector<16xi32>
        %and3A = arith.andi %ge3A_161, %lt3A_164 : vector<16xi1>
        %add3A_165 = arith.constant 16 : i32
        %add3A_166 = arith.addi %mul3A_155, %add3A_165 : i32
        %get3A_167 = arith.index_cast %add3A_166 : i32 to index
        %get3A_168 = tpu.vector_load %arg7[%get3A_167] {strides = array<i32>} : memref<4096xi32, #tpu.memory_space<vmem>>, vector<16xi32>,
        %sub3A_169 = vector.broadcast %mul3A_2 : i32 to vector<16xi32>
        %sub3A_170 = arith.subi %get3A_168, %sub3A_169 : vector<16xi32>
        %ge3A_171 = arith.constant 0 : i32
        %ge3A_172 = vector.broadcast %ge3A_171 : i32 to vector<16xi32>
        %ge3A_173 = arith.cmpi sge, %sub3A_170, %ge3A_172 : vector<16xi32>
        %lt3A_174 = arith.constant 8192 : i32
        %lt3A_175 = vector.broadcast %lt3A_174 : i32 to vector<16xi32>
        %lt3A_176 = arith.cmpi slt, %sub3A_170, %lt3A_175 : vector<16xi32>
        %and3A_177 = arith.andi %ge3A_173, %lt3A_176 : vector<16xi1>
        %add3A_178 = arith.constant 32 : i32
        %add3A_179 = arith.addi %mul3A_155, %add3A_178 : i32
        %get3A_180 = arith.index_cast %add3A_179 : i32 to index
        %get3A_181 = tpu.vector_load %arg7[%get3A_180] {strides = array<i32>} : memref<4096xi32, #tpu.memory_space<vmem>>, vector<16xi32>,
        %sub3A_182 = vector.broadcast %mul3A_2 : i32 to vector<16xi32>
        %sub3A_183 = arith.subi %get3A_181, %sub3A_182 : vector<16xi32>
        %ge3A_184 = arith.constant 0 : i32
        %ge3A_185 = vector.broadcast %ge3A_184 : i32 to vector<16xi32>
        %ge3A_186 = arith.cmpi sge, %sub3A_183, %ge3A_185 : vector<16xi32>
        %lt3A_187 = arith.constant 8192 : i32
        %lt3A_188 = vector.broadcast %lt3A_187 : i32 to vector<16xi32>
        %lt3A_189 = arith.cmpi slt, %sub3A_183, %lt3A_188 : vector<16xi32>
        %and3A_190 = arith.andi %ge3A_186, %lt3A_189 : vector<16xi1>
        %add3A_191 = arith.constant 48 : i32
        %add3A_192 = arith.addi %mul3A_155, %add3A_191 : i32
        %get3A_193 = arith.index_cast %add3A_192 : i32 to index
        %get3A_194 = tpu.vector_load %arg7[%get3A_193] {strides = array<i32>} : memref<4096xi32, #tpu.memory_space<vmem>>, vector<16xi32>,
        %sub3A_195 = vector.broadcast %mul3A_2 : i32 to vector<16xi32>
        %sub3A_196 = arith.subi %get3A_194, %sub3A_195 : vector<16xi32>
        %ge3A_197 = arith.constant 0 : i32
        %ge3A_198 = vector.broadcast %ge3A_197 : i32 to vector<16xi32>
        %ge3A_199 = arith.cmpi sge, %sub3A_196, %ge3A_198 : vector<16xi32>
        %lt3A_200 = arith.constant 8192 : i32
        %lt3A_201 = vector.broadcast %lt3A_200 : i32 to vector<16xi32>
        %lt3A_202 = arith.cmpi slt, %sub3A_196, %lt3A_201 : vector<16xi32>
        %and3A_203 = arith.andi %ge3A_199, %lt3A_202 : vector<16xi1>
        %add3A_204 = arith.constant 64 : i32
        %add3A_205 = arith.addi %mul3A_155, %add3A_204 : i32
        %get3A_206 = arith.index_cast %add3A_205 : i32 to index
        %get3A_207 = tpu.vector_load %arg7[%get3A_206] {strides = array<i32>} : memref<4096xi32, #tpu.memory_space<vmem>>, vector<16xi32>,
        %sub3A_208 = vector.broadcast %mul3A_2 : i32 to vector<16xi32>
        %sub3A_209 = arith.subi %get3A_207, %sub3A_208 : vector<16xi32>
        %ge3A_210 = arith.constant 0 : i32
        %ge3A_211 = vector.broadcast %ge3A_210 : i32 to vector<16xi32>
        %ge3A_212 = arith.cmpi sge, %sub3A_209, %ge3A_211 : vector<16xi32>
        %lt3A_213 = arith.constant 8192 : i32
        %lt3A_214 = vector.broadcast %lt3A_213 : i32 to vector<16xi32>
        %lt3A_215 = arith.cmpi slt, %sub3A_209, %lt3A_214 : vector<16xi32>
        %and3A_216 = arith.andi %ge3A_212, %lt3A_215 : vector<16xi1>
        %add3A_217 = arith.constant 80 : i32
        %add3A_218 = arith.addi %mul3A_155, %add3A_217 : i32
        %get3A_219 = arith.index_cast %add3A_218 : i32 to index
        %get3A_220 = tpu.vector_load %arg7[%get3A_219] {strides = array<i32>} : memref<4096xi32, #tpu.memory_space<vmem>>, vector<16xi32>,
        %sub3A_221 = vector.broadcast %mul3A_2 : i32 to vector<16xi32>
        %sub3A_222 = arith.subi %get3A_220, %sub3A_221 : vector<16xi32>
        %ge3A_223 = arith.constant 0 : i32
        %ge3A_224 = vector.broadcast %ge3A_223 : i32 to vector<16xi32>
        %ge3A_225 = arith.cmpi sge, %sub3A_222, %ge3A_224 : vector<16xi32>
        %lt3A_226 = arith.constant 8192 : i32
        %lt3A_227 = vector.broadcast %lt3A_226 : i32 to vector<16xi32>
        %lt3A_228 = arith.cmpi slt, %sub3A_222, %lt3A_227 : vector<16xi32>
        %and3A_229 = arith.andi %ge3A_225, %lt3A_228 : vector<16xi1>
        %add3A_230 = arith.constant 96 : i32
        %add3A_231 = arith.addi %mul3A_155, %add3A_230 : i32
        %get3A_232 = arith.index_cast %add3A_231 : i32 to index
        %get3A_233 = tpu.vector_load %arg7[%get3A_232] {strides = array<i32>} : memref<4096xi32, #tpu.memory_space<vmem>>, vector<16xi32>,
        %sub3A_234 = vector.broadcast %mul3A_2 : i32 to vector<16xi32>
        %sub3A_235 = arith.subi %get3A_233, %sub3A_234 : vector<16xi32>
        %ge3A_236 = arith.constant 0 : i32
        %ge3A_237 = vector.broadcast %ge3A_236 : i32 to vector<16xi32>
        %ge3A_238 = arith.cmpi sge, %sub3A_235, %ge3A_237 : vector<16xi32>
        %lt3A_239 = arith.constant 8192 : i32
        %lt3A_240 = vector.broadcast %lt3A_239 : i32 to vector<16xi32>
        %lt3A_241 = arith.cmpi slt, %sub3A_235, %lt3A_240 : vector<16xi32>
        %and3A_242 = arith.andi %ge3A_238, %lt3A_241 : vector<16xi1>
        %add3A_243 = arith.constant 112 : i32
        %add3A_244 = arith.addi %mul3A_155, %add3A_243 : i32
        %get3A_245 = arith.index_cast %add3A_244 : i32 to index
        %get3A_246 = tpu.vector_load %arg7[%get3A_245] {strides = array<i32>} : memref<4096xi32, #tpu.memory_space<vmem>>, vector<16xi32>,
        %sub3A_247 = vector.broadcast %mul3A_2 : i32 to vector<16xi32>
        %sub3A_248 = arith.subi %get3A_246, %sub3A_247 : vector<16xi32>
        %ge3A_249 = arith.constant 0 : i32
        %ge3A_250 = vector.broadcast %ge3A_249 : i32 to vector<16xi32>
        %ge3A_251 = arith.cmpi sge, %sub3A_248, %ge3A_250 : vector<16xi32>
        %lt3A_252 = arith.constant 8192 : i32
        %lt3A_253 = vector.broadcast %lt3A_252 : i32 to vector<16xi32>
        %lt3A_254 = arith.cmpi slt, %sub3A_248, %lt3A_253 : vector<16xi32>
        %and3A_255 = arith.andi %ge3A_251, %lt3A_254 : vector<16xi1>
        %or3A = arith.ori %and3A, %and3A_177 : vector<16xi1>
        %or3A_256 = arith.ori %or3A, %and3A_190 : vector<16xi1>
        %or3A_257 = arith.ori %or3A_256, %and3A_203 : vector<16xi1>
        %or3A_258 = arith.ori %or3A_257, %and3A_216 : vector<16xi1>
        %or3A_259 = arith.ori %or3A_258, %and3A_229 : vector<16xi1>
        %or3A_260 = arith.ori %or3A_259, %and3A_242 : vector<16xi1>
        %or3A_261 = arith.ori %or3A_260, %and3A_255 : vector<16xi1>
        %all_reduce_population_count3A = tpu.all_reduce %or3A_261 {dim = 0 : i64, kind = #tpu.reduction_kind<sum>} : vector<16xi1> -> vector<16xi32>
        %slice3A = vector.extract_strided_slice %all_reduce_population_count3A {offsets = [0], sizes = [1], strides = [1]} : vector<16xi32> to vector<1xi32>
        %squeeze3A = vector.extract %slice3A[0] : i32 from vector<1xi32>
        %gt3A = arith.constant 0 : i32
        %gt3A_262 = arith.cmpi sgt, %squeeze3A, %gt3A : i32
        %convert_element_type3A_263 = arith.extui %gt3A_262 : i1 to i32
        %cond3A_264 = arith.constant 0 : i32
        %cond3A_265 = arith.cmpi ne, %convert_element_type3A_263, %cond3A_264 : i32
        scf.if %cond3A_265 {
          %jit3A = arith.constant 0 : i32
          %broadcast_in_dim3A = vector.broadcast %jit3A : i32 to vector<16xi32>
          %select_n3A = arith.select %and3A, %sub3A_159, %broadcast_in_dim3A : vector<16xi1>, vector<16xi32>
          %add3A_267 = arith.constant 0 : i32
          %add3A_268 = arith.addi %add3A_267, %mul3A_155 : i32
          %add3A_269 = arith.constant 0 : i32
          %add3A_270 = arith.addi %add3A_268, %add3A_269 : i32
          %get3A_271 = arith.index_cast %add3A_270 : i32 to index
          %get3A_272 = tpu.vector_load %arg9[%get3A_271] {strides = array<i32>} : memref<12288xf32, #tpu.memory_space<vmem>>, vector<16xf32>,
          %add3A_273 = arith.constant 0 : i32
          %add3A_274 = vector.broadcast %add3A_273 : i32 to vector<16xi32>
          %add3A_275 = arith.addi %select_n3A, %add3A_274 : vector<16xi32>
          tpu.vector_store_idx %arg6[%add3A_275], %get3A_272 masked %and3A : memref<24576xf32, #tpu.memory_space<vmem>>[vector<16xi32>], vector<16xf32>, vector<16xi1>
          %add3A_276 = arith.constant 4096 : i32
          %add3A_277 = arith.addi %add3A_276, %mul3A_155 : i32
          %add3A_278 = arith.constant 0 : i32
          %add3A_279 = arith.addi %add3A_277, %add3A_278 : i32
          %get3A_280 = arith.index_cast %add3A_279 : i32 to index
          %get3A_281 = tpu.vector_load %arg9[%get3A_280] {strides = array<i32>} : memref<12288xf32, #tpu.memory_space<vmem>>, vector<16xf32>,
          %add3A_282 = arith.constant 8192 : i32
          %add3A_283 = vector.broadcast %add3A_282 : i32 to vector<16xi32>
          %add3A_284 = arith.addi %select_n3A, %add3A_283 : vector<16xi32>
          tpu.vector_store_idx %arg6[%add3A_284], %get3A_281 masked %and3A : memref<24576xf32, #tpu.memory_space<vmem>>[vector<16xi32>], vector<16xf32>, vector<16xi1>
          %add3A_285 = arith.constant 8192 : i32
          %add3A_286 = arith.addi %add3A_285, %mul3A_155 : i32
          %add3A_287 = arith.constant 0 : i32
          %add3A_288 = arith.addi %add3A_286, %add3A_287 : i32
          %get3A_289 = arith.index_cast %add3A_288 : i32 to index
          %get3A_290 = tpu.vector_load %arg9[%get3A_289] {strides = array<i32>} : memref<12288xf32, #tpu.memory_space<vmem>>, vector<16xf32>,
          %add3A_291 = arith.constant 16384 : i32
          %add3A_292 = vector.broadcast %add3A_291 : i32 to vector<16xi32>
          %add3A_293 = arith.addi %select_n3A, %add3A_292 : vector<16xi32>
          tpu.vector_store_idx %arg6[%add3A_293], %get3A_290 masked %and3A : memref<24576xf32, #tpu.memory_space<vmem>>[vector<16xi32>], vector<16xf32>, vector<16xi1>
          %jit3A_294 = arith.constant 0 : i32
          %broadcast_in_dim3A_295 = vector.broadcast %jit3A_294 : i32 to vector<16xi32>
          %select_n3A_296 = arith.select %and3A_177, %sub3A_170, %broadcast_in_dim3A_295 : vector<16xi1>, vector<16xi32>
          %add3A_297 = arith.constant 0 : i32
          %add3A_298 = arith.addi %add3A_297, %mul3A_155 : i32
          %add3A_299 = arith.constant 16 : i32
          %add3A_300 = arith.addi %add3A_298, %add3A_299 : i32
          %get3A_301 = arith.index_cast %add3A_300 : i32 to index
          %get3A_302 = tpu.vector_load %arg9[%get3A_301] {strides = array<i32>} : memref<12288xf32, #tpu.memory_space<vmem>>, vector<16xf32>,
          %add3A_303 = arith.constant 0 : i32
          %add3A_304 = vector.broadcast %add3A_303 : i32 to vector<16xi32>
          %add3A_305 = arith.addi %select_n3A_296, %add3A_304 : vector<16xi32>
          tpu.vector_store_idx %arg6[%add3A_305], %get3A_302 masked %and3A_177 : memref<24576xf32, #tpu.memory_space<vmem>>[vector<16xi32>], vector<16xf32>, vector<16xi1>
          %add3A_306 = arith.constant 4096 : i32
          %add3A_307 = arith.addi %add3A_306, %mul3A_155 : i32
          %add3A_308 = arith.constant 16 : i32
          %add3A_309 = arith.addi %add3A_307, %add3A_308 : i32
          %get3A_310 = arith.index_cast %add3A_309 : i32 to index
          %get3A_311 = tpu.vector_load %arg9[%get3A_310] {strides = array<i32>} : memref<12288xf32, #tpu.memory_space<vmem>>, vector<16xf32>,
          %add3A_312 = arith.constant 8192 : i32
          %add3A_313 = vector.broadcast %add3A_312 : i32 to vector<16xi32>
          %add3A_314 = arith.addi %select_n3A_296, %add3A_313 : vector<16xi32>
          tpu.vector_store_idx %arg6[%add3A_314], %get3A_311 masked %and3A_177 : memref<24576xf32, #tpu.memory_space<vmem>>[vector<16xi32>], vector<16xf32>, vector<16xi1>
          %add3A_315 = arith.constant 8192 : i32
          %add3A_316 = arith.addi %add3A_315, %mul3A_155 : i32
          %add3A_317 = arith.constant 16 : i32
          %add3A_318 = arith.addi %add3A_316, %add3A_317 : i32
          %get3A_319 = arith.index_cast %add3A_318 : i32 to index
          %get3A_320 = tpu.vector_load %arg9[%get3A_319] {strides = array<i32>} : memref<12288xf32, #tpu.memory_space<vmem>>, vector<16xf32>,
          %add3A_321 = arith.constant 16384 : i32
          %add3A_322 = vector.broadcast %add3A_321 : i32 to vector<16xi32>
          %add3A_323 = arith.addi %select_n3A_296, %add3A_322 : vector<16xi32>
          tpu.vector_store_idx %arg6[%add3A_323], %get3A_320 masked %and3A_177 : memref<24576xf32, #tpu.memory_space<vmem>>[vector<16xi32>], vector<16xf32>, vector<16xi1>
          %jit3A_324 = arith.constant 0 : i32
          %broadcast_in_dim3A_325 = vector.broadcast %jit3A_324 : i32 to vector<16xi32>
          %select_n3A_326 = arith.select %and3A_190, %sub3A_183, %broadcast_in_dim3A_325 : vector<16xi1>, vector<16xi32>
          %add3A_327 = arith.constant 0 : i32
          %add3A_328 = arith.addi %add3A_327, %mul3A_155 : i32
          %add3A_329 = arith.constant 32 : i32
          %add3A_330 = arith.addi %add3A_328, %add3A_329 : i32
          %get3A_331 = arith.index_cast %add3A_330 : i32 to index
          %get3A_332 = tpu.vector_load %arg9[%get3A_331] {strides = array<i32>} : memref<12288xf32, #tpu.memory_space<vmem>>, vector<16xf32>,
          %add3A_333 = arith.constant 0 : i32
          %add3A_334 = vector.broadcast %add3A_333 : i32 to vector<16xi32>
          %add3A_335 = arith.addi %select_n3A_326, %add3A_334 : vector<16xi32>
          tpu.vector_store_idx %arg6[%add3A_335], %get3A_332 masked %and3A_190 : memref<24576xf32, #tpu.memory_space<vmem>>[vector<16xi32>], vector<16xf32>, vector<16xi1>
          %add3A_336 = arith.constant 4096 : i32
          %add3A_337 = arith.addi %add3A_336, %mul3A_155 : i32
          %add3A_338 = arith.constant 32 : i32
          %add3A_339 = arith.addi %add3A_337, %add3A_338 : i32
          %get3A_340 = arith.index_cast %add3A_339 : i32 to index
          %get3A_341 = tpu.vector_load %arg9[%get3A_340] {strides = array<i32>} : memref<12288xf32, #tpu.memory_space<vmem>>, vector<16xf32>,
          %add3A_342 = arith.constant 8192 : i32
          %add3A_343 = vector.broadcast %add3A_342 : i32 to vector<16xi32>
          %add3A_344 = arith.addi %select_n3A_326, %add3A_343 : vector<16xi32>
          tpu.vector_store_idx %arg6[%add3A_344], %get3A_341 masked %and3A_190 : memref<24576xf32, #tpu.memory_space<vmem>>[vector<16xi32>], vector<16xf32>, vector<16xi1>
          %add3A_345 = arith.constant 8192 : i32
          %add3A_346 = arith.addi %add3A_345, %mul3A_155 : i32
          %add3A_347 = arith.constant 32 : i32
          %add3A_348 = arith.addi %add3A_346, %add3A_347 : i32
          %get3A_349 = arith.index_cast %add3A_348 : i32 to index
          %get3A_350 = tpu.vector_load %arg9[%get3A_349] {strides = array<i32>} : memref<12288xf32, #tpu.memory_space<vmem>>, vector<16xf32>,
          %add3A_351 = arith.constant 16384 : i32
          %add3A_352 = vector.broadcast %add3A_351 : i32 to vector<16xi32>
          %add3A_353 = arith.addi %select_n3A_326, %add3A_352 : vector<16xi32>
          tpu.vector_store_idx %arg6[%add3A_353], %get3A_350 masked %and3A_190 : memref<24576xf32, #tpu.memory_space<vmem>>[vector<16xi32>], vector<16xf32>, vector<16xi1>
          %jit3A_354 = arith.constant 0 : i32
          %broadcast_in_dim3A_355 = vector.broadcast %jit3A_354 : i32 to vector<16xi32>
          %select_n3A_356 = arith.select %and3A_203, %sub3A_196, %broadcast_in_dim3A_355 : vector<16xi1>, vector<16xi32>
          %add3A_357 = arith.constant 0 : i32
          %add3A_358 = arith.addi %add3A_357, %mul3A_155 : i32
          %add3A_359 = arith.constant 48 : i32
          %add3A_360 = arith.addi %add3A_358, %add3A_359 : i32
          %get3A_361 = arith.index_cast %add3A_360 : i32 to index
          %get3A_362 = tpu.vector_load %arg9[%get3A_361] {strides = array<i32>} : memref<12288xf32, #tpu.memory_space<vmem>>, vector<16xf32>,
          %add3A_363 = arith.constant 0 : i32
          %add3A_364 = vector.broadcast %add3A_363 : i32 to vector<16xi32>
          %add3A_365 = arith.addi %select_n3A_356, %add3A_364 : vector<16xi32>
          tpu.vector_store_idx %arg6[%add3A_365], %get3A_362 masked %and3A_203 : memref<24576xf32, #tpu.memory_space<vmem>>[vector<16xi32>], vector<16xf32>, vector<16xi1>
          %add3A_366 = arith.constant 4096 : i32
          %add3A_367 = arith.addi %add3A_366, %mul3A_155 : i32
          %add3A_368 = arith.constant 48 : i32
          %add3A_369 = arith.addi %add3A_367, %add3A_368 : i32
          %get3A_370 = arith.index_cast %add3A_369 : i32 to index
          %get3A_371 = tpu.vector_load %arg9[%get3A_370] {strides = array<i32>} : memref<12288xf32, #tpu.memory_space<vmem>>, vector<16xf32>,
          %add3A_372 = arith.constant 8192 : i32
          %add3A_373 = vector.broadcast %add3A_372 : i32 to vector<16xi32>
          %add3A_374 = arith.addi %select_n3A_356, %add3A_373 : vector<16xi32>
          tpu.vector_store_idx %arg6[%add3A_374], %get3A_371 masked %and3A_203 : memref<24576xf32, #tpu.memory_space<vmem>>[vector<16xi32>], vector<16xf32>, vector<16xi1>
          %add3A_375 = arith.constant 8192 : i32
          %add3A_376 = arith.addi %add3A_375, %mul3A_155 : i32
          %add3A_377 = arith.constant 48 : i32
          %add3A_378 = arith.addi %add3A_376, %add3A_377 : i32
          %get3A_379 = arith.index_cast %add3A_378 : i32 to index
          %get3A_380 = tpu.vector_load %arg9[%get3A_379] {strides = array<i32>} : memref<12288xf32, #tpu.memory_space<vmem>>, vector<16xf32>,
          %add3A_381 = arith.constant 16384 : i32
          %add3A_382 = vector.broadcast %add3A_381 : i32 to vector<16xi32>
          %add3A_383 = arith.addi %select_n3A_356, %add3A_382 : vector<16xi32>
          tpu.vector_store_idx %arg6[%add3A_383], %get3A_380 masked %and3A_203 : memref<24576xf32, #tpu.memory_space<vmem>>[vector<16xi32>], vector<16xf32>, vector<16xi1>
          %jit3A_384 = arith.constant 0 : i32
          %broadcast_in_dim3A_385 = vector.broadcast %jit3A_384 : i32 to vector<16xi32>
          %select_n3A_386 = arith.select %and3A_216, %sub3A_209, %broadcast_in_dim3A_385 : vector<16xi1>, vector<16xi32>
          %add3A_387 = arith.constant 0 : i32
          %add3A_388 = arith.addi %add3A_387, %mul3A_155 : i32
          %add3A_389 = arith.constant 64 : i32
          %add3A_390 = arith.addi %add3A_388, %add3A_389 : i32
          %get3A_391 = arith.index_cast %add3A_390 : i32 to index
          %get3A_392 = tpu.vector_load %arg9[%get3A_391] {strides = array<i32>} : memref<12288xf32, #tpu.memory_space<vmem>>, vector<16xf32>,
          %add3A_393 = arith.constant 0 : i32
          %add3A_394 = vector.broadcast %add3A_393 : i32 to vector<16xi32>
          %add3A_395 = arith.addi %select_n3A_386, %add3A_394 : vector<16xi32>
          tpu.vector_store_idx %arg6[%add3A_395], %get3A_392 masked %and3A_216 : memref<24576xf32, #tpu.memory_space<vmem>>[vector<16xi32>], vector<16xf32>, vector<16xi1>
          %add3A_396 = arith.constant 4096 : i32
          %add3A_397 = arith.addi %add3A_396, %mul3A_155 : i32
          %add3A_398 = arith.constant 64 : i32
          %add3A_399 = arith.addi %add3A_397, %add3A_398 : i32
          %get3A_400 = arith.index_cast %add3A_399 : i32 to index
          %get3A_401 = tpu.vector_load %arg9[%get3A_400] {strides = array<i32>} : memref<12288xf32, #tpu.memory_space<vmem>>, vector<16xf32>,
          %add3A_402 = arith.constant 8192 : i32
          %add3A_403 = vector.broadcast %add3A_402 : i32 to vector<16xi32>
          %add3A_404 = arith.addi %select_n3A_386, %add3A_403 : vector<16xi32>
          tpu.vector_store_idx %arg6[%add3A_404], %get3A_401 masked %and3A_216 : memref<24576xf32, #tpu.memory_space<vmem>>[vector<16xi32>], vector<16xf32>, vector<16xi1>
          %add3A_405 = arith.constant 8192 : i32
          %add3A_406 = arith.addi %add3A_405, %mul3A_155 : i32
          %add3A_407 = arith.constant 64 : i32
          %add3A_408 = arith.addi %add3A_406, %add3A_407 : i32
          %get3A_409 = arith.index_cast %add3A_408 : i32 to index
          %get3A_410 = tpu.vector_load %arg9[%get3A_409] {strides = array<i32>} : memref<12288xf32, #tpu.memory_space<vmem>>, vector<16xf32>,
          %add3A_411 = arith.constant 16384 : i32
          %add3A_412 = vector.broadcast %add3A_411 : i32 to vector<16xi32>
          %add3A_413 = arith.addi %select_n3A_386, %add3A_412 : vector<16xi32>
          tpu.vector_store_idx %arg6[%add3A_413], %get3A_410 masked %and3A_216 : memref<24576xf32, #tpu.memory_space<vmem>>[vector<16xi32>], vector<16xf32>, vector<16xi1>
          %jit3A_414 = arith.constant 0 : i32
          %broadcast_in_dim3A_415 = vector.broadcast %jit3A_414 : i32 to vector<16xi32>
          %select_n3A_416 = arith.select %and3A_229, %sub3A_222, %broadcast_in_dim3A_415 : vector<16xi1>, vector<16xi32>
          %add3A_417 = arith.constant 0 : i32
          %add3A_418 = arith.addi %add3A_417, %mul3A_155 : i32
          %add3A_419 = arith.constant 80 : i32
          %add3A_420 = arith.addi %add3A_418, %add3A_419 : i32
          %get3A_421 = arith.index_cast %add3A_420 : i32 to index
          %get3A_422 = tpu.vector_load %arg9[%get3A_421] {strides = array<i32>} : memref<12288xf32, #tpu.memory_space<vmem>>, vector<16xf32>,
          %add3A_423 = arith.constant 0 : i32
          %add3A_424 = vector.broadcast %add3A_423 : i32 to vector<16xi32>
          %add3A_425 = arith.addi %select_n3A_416, %add3A_424 : vector<16xi32>
          tpu.vector_store_idx %arg6[%add3A_425], %get3A_422 masked %and3A_229 : memref<24576xf32, #tpu.memory_space<vmem>>[vector<16xi32>], vector<16xf32>, vector<16xi1>
          %add3A_426 = arith.constant 4096 : i32
          %add3A_427 = arith.addi %add3A_426, %mul3A_155 : i32
          %add3A_428 = arith.constant 80 : i32
          %add3A_429 = arith.addi %add3A_427, %add3A_428 : i32
          %get3A_430 = arith.index_cast %add3A_429 : i32 to index
          %get3A_431 = tpu.vector_load %arg9[%get3A_430] {strides = array<i32>} : memref<12288xf32, #tpu.memory_space<vmem>>, vector<16xf32>,
          %add3A_432 = arith.constant 8192 : i32
          %add3A_433 = vector.broadcast %add3A_432 : i32 to vector<16xi32>
          %add3A_434 = arith.addi %select_n3A_416, %add3A_433 : vector<16xi32>
          tpu.vector_store_idx %arg6[%add3A_434], %get3A_431 masked %and3A_229 : memref<24576xf32, #tpu.memory_space<vmem>>[vector<16xi32>], vector<16xf32>, vector<16xi1>
          %add3A_435 = arith.constant 8192 : i32
          %add3A_436 = arith.addi %add3A_435, %mul3A_155 : i32
          %add3A_437 = arith.constant 80 : i32
          %add3A_438 = arith.addi %add3A_436, %add3A_437 : i32
          %get3A_439 = arith.index_cast %add3A_438 : i32 to index
          %get3A_440 = tpu.vector_load %arg9[%get3A_439] {strides = array<i32>} : memref<12288xf32, #tpu.memory_space<vmem>>, vector<16xf32>,
          %add3A_441 = arith.constant 16384 : i32
          %add3A_442 = vector.broadcast %add3A_441 : i32 to vector<16xi32>
          %add3A_443 = arith.addi %select_n3A_416, %add3A_442 : vector<16xi32>
          tpu.vector_store_idx %arg6[%add3A_443], %get3A_440 masked %and3A_229 : memref<24576xf32, #tpu.memory_space<vmem>>[vector<16xi32>], vector<16xf32>, vector<16xi1>
          %jit3A_444 = arith.constant 0 : i32
          %broadcast_in_dim3A_445 = vector.broadcast %jit3A_444 : i32 to vector<16xi32>
          %select_n3A_446 = arith.select %and3A_242, %sub3A_235, %broadcast_in_dim3A_445 : vector<16xi1>, vector<16xi32>
          %add3A_447 = arith.constant 0 : i32
          %add3A_448 = arith.addi %add3A_447, %mul3A_155 : i32
          %add3A_449 = arith.constant 96 : i32
          %add3A_450 = arith.addi %add3A_448, %add3A_449 : i32
          %get3A_451 = arith.index_cast %add3A_450 : i32 to index
          %get3A_452 = tpu.vector_load %arg9[%get3A_451] {strides = array<i32>} : memref<12288xf32, #tpu.memory_space<vmem>>, vector<16xf32>,
          %add3A_453 = arith.constant 0 : i32
          %add3A_454 = vector.broadcast %add3A_453 : i32 to vector<16xi32>
          %add3A_455 = arith.addi %select_n3A_446, %add3A_454 : vector<16xi32>
          tpu.vector_store_idx %arg6[%add3A_455], %get3A_452 masked %and3A_242 : memref<24576xf32, #tpu.memory_space<vmem>>[vector<16xi32>], vector<16xf32>, vector<16xi1>
          %add3A_456 = arith.constant 4096 : i32
          %add3A_457 = arith.addi %add3A_456, %mul3A_155 : i32
          %add3A_458 = arith.constant 96 : i32
          %add3A_459 = arith.addi %add3A_457, %add3A_458 : i32
          %get3A_460 = arith.index_cast %add3A_459 : i32 to index
          %get3A_461 = tpu.vector_load %arg9[%get3A_460] {strides = array<i32>} : memref<12288xf32, #tpu.memory_space<vmem>>, vector<16xf32>,
          %add3A_462 = arith.constant 8192 : i32
          %add3A_463 = vector.broadcast %add3A_462 : i32 to vector<16xi32>
          %add3A_464 = arith.addi %select_n3A_446, %add3A_463 : vector<16xi32>
          tpu.vector_store_idx %arg6[%add3A_464], %get3A_461 masked %and3A_242 : memref<24576xf32, #tpu.memory_space<vmem>>[vector<16xi32>], vector<16xf32>, vector<16xi1>
          %add3A_465 = arith.constant 8192 : i32
          %add3A_466 = arith.addi %add3A_465, %mul3A_155 : i32
          %add3A_467 = arith.constant 96 : i32
          %add3A_468 = arith.addi %add3A_466, %add3A_467 : i32
          %get3A_469 = arith.index_cast %add3A_468 : i32 to index
          %get3A_470 = tpu.vector_load %arg9[%get3A_469] {strides = array<i32>} : memref<12288xf32, #tpu.memory_space<vmem>>, vector<16xf32>,
          %add3A_471 = arith.constant 16384 : i32
          %add3A_472 = vector.broadcast %add3A_471 : i32 to vector<16xi32>
          %add3A_473 = arith.addi %select_n3A_446, %add3A_472 : vector<16xi32>
          tpu.vector_store_idx %arg6[%add3A_473], %get3A_470 masked %and3A_242 : memref<24576xf32, #tpu.memory_space<vmem>>[vector<16xi32>], vector<16xf32>, vector<16xi1>
          %jit3A_474 = arith.constant 0 : i32
          %broadcast_in_dim3A_475 = vector.broadcast %jit3A_474 : i32 to vector<16xi32>
          %select_n3A_476 = arith.select %and3A_255, %sub3A_248, %broadcast_in_dim3A_475 : vector<16xi1>, vector<16xi32>
          %add3A_477 = arith.constant 0 : i32
          %add3A_478 = arith.addi %add3A_477, %mul3A_155 : i32
          %add3A_479 = arith.constant 112 : i32
          %add3A_480 = arith.addi %add3A_478, %add3A_479 : i32
          %get3A_481 = arith.index_cast %add3A_480 : i32 to index
          %get3A_482 = tpu.vector_load %arg9[%get3A_481] {strides = array<i32>} : memref<12288xf32, #tpu.memory_space<vmem>>, vector<16xf32>,
          %add3A_483 = arith.constant 0 : i32
          %add3A_484 = vector.broadcast %add3A_483 : i32 to vector<16xi32>
          %add3A_485 = arith.addi %select_n3A_476, %add3A_484 : vector<16xi32>
          tpu.vector_store_idx %arg6[%add3A_485], %get3A_482 masked %and3A_255 : memref<24576xf32, #tpu.memory_space<vmem>>[vector<16xi32>], vector<16xf32>, vector<16xi1>
          %add3A_486 = arith.constant 4096 : i32
          %add3A_487 = arith.addi %add3A_486, %mul3A_155 : i32
          %add3A_488 = arith.constant 112 : i32
          %add3A_489 = arith.addi %add3A_487, %add3A_488 : i32
          %get3A_490 = arith.index_cast %add3A_489 : i32 to index
          %get3A_491 = tpu.vector_load %arg9[%get3A_490] {strides = array<i32>} : memref<12288xf32, #tpu.memory_space<vmem>>, vector<16xf32>,
          %add3A_492 = arith.constant 8192 : i32
          %add3A_493 = vector.broadcast %add3A_492 : i32 to vector<16xi32>
          %add3A_494 = arith.addi %select_n3A_476, %add3A_493 : vector<16xi32>
          tpu.vector_store_idx %arg6[%add3A_494], %get3A_491 masked %and3A_255 : memref<24576xf32, #tpu.memory_space<vmem>>[vector<16xi32>], vector<16xf32>, vector<16xi1>
          %add3A_495 = arith.constant 8192 : i32
          %add3A_496 = arith.addi %add3A_495, %mul3A_155 : i32
          %add3A_497 = arith.constant 112 : i32
          %add3A_498 = arith.addi %add3A_496, %add3A_497 : i32
          %get3A_499 = arith.index_cast %add3A_498 : i32 to index
          %get3A_500 = tpu.vector_load %arg9[%get3A_499] {strides = array<i32>} : memref<12288xf32, #tpu.memory_space<vmem>>, vector<16xf32>,
          %add3A_501 = arith.constant 16384 : i32
          %add3A_502 = vector.broadcast %add3A_501 : i32 to vector<16xi32>
          %add3A_503 = arith.addi %select_n3A_476, %add3A_502 : vector<16xi32>
          tpu.vector_store_idx %arg6[%add3A_503], %get3A_500 masked %and3A_255 : memref<24576xf32, #tpu.memory_space<vmem>>[vector<16xi32>], vector<16xf32>, vector<16xi1>
        } else {
        }
        %scan3A_266 = arith.constant 0 : i32
        scf.yield %scan3A_266 : i32
      }
      %scan3A_109 = arith.constant 32 : i32
      %add3A_110 = arith.constant 1 : i32
      %add3A_111 = arith.addi %mul3A_45, %add3A_110 : i32
      %mul3A_112 = arith.constant 4096 : i32
      %mul3A_113 = arith.muli %add3A_111, %mul3A_112 : i32
      %dma_wait3A_114 = tpu.memref_slice %arg2[%mul3A_113] : memref<65536xi32, #tpu.memory_space<hbm>> -> memref<4096xi32, #tpu.memory_space<hbm>>
      %dma_wait3A_115 = tpu.memref_slice %arg2[%mul3A_113] : memref<65536xi32, #tpu.memory_space<hbm>> -> memref<4096xi32, #tpu.memory_space<hbm>>
      tpu.wait_dma2 semaphore(%arg12 : memref<!tpu.dma_semaphore, #tpu.memory_space<semaphore_mem>>) src(%dma_wait3A_115 : memref<4096xi32, #tpu.memory_space<hbm>>) dst(%arg8 : memref<4096xi32, #tpu.memory_space<vmem>>)
      %add3A_116 = arith.constant 0 : i32
      %add3A_117 = arith.addi %add3A_116, %mul3A_113 : i32
      %dma_wait3A_118 = arith.constant 0 : i32
      %dma_wait3A_119 = tpu.memref_slice %arg10[%dma_wait3A_118] : memref<12288xf32, #tpu.memory_space<vmem>> -> memref<4096xf32, #tpu.memory_space<vmem>>
      %dma_wait3A_120 = tpu.memref_slice %arg3[%add3A_117] : memref<196608xf32, #tpu.memory_space<hbm>> -> memref<4096xf32, #tpu.memory_space<hbm>>
      %dma_wait3A_121 = arith.constant 0 : i32
      %dma_wait3A_122 = tpu.memref_slice %arg10[%dma_wait3A_121] : memref<12288xf32, #tpu.memory_space<vmem>> -> memref<4096xf32, #tpu.memory_space<vmem>>
      %dma_wait3A_123 = tpu.memref_slice %arg3[%add3A_117] : memref<196608xf32, #tpu.memory_space<hbm>> -> memref<4096xf32, #tpu.memory_space<hbm>>
      tpu.wait_dma2 semaphore(%arg12 : memref<!tpu.dma_semaphore, #tpu.memory_space<semaphore_mem>>) src(%dma_wait3A_123 : memref<4096xf32, #tpu.memory_space<hbm>>) dst(%dma_wait3A_122 : memref<4096xf32, #tpu.memory_space<vmem>>)
      %add3A_124 = arith.constant 65536 : i32
      %add3A_125 = arith.addi %add3A_124, %mul3A_113 : i32
      %dma_wait3A_126 = arith.constant 4096 : i32
      %dma_wait3A_127 = tpu.memref_slice %arg10[%dma_wait3A_126] : memref<12288xf32, #tpu.memory_space<vmem>> -> memref<4096xf32, #tpu.memory_space<vmem>>
      %dma_wait3A_128 = tpu.memref_slice %arg3[%add3A_125] : memref<196608xf32, #tpu.memory_space<hbm>> -> memref<4096xf32, #tpu.memory_space<hbm>>
      %dma_wait3A_129 = arith.constant 4096 : i32
      %dma_wait3A_130 = tpu.memref_slice %arg10[%dma_wait3A_129] : memref<12288xf32, #tpu.memory_space<vmem>> -> memref<4096xf32, #tpu.memory_space<vmem>>
      %dma_wait3A_131 = tpu.memref_slice %arg3[%add3A_125] : memref<196608xf32, #tpu.memory_space<hbm>> -> memref<4096xf32, #tpu.memory_space<hbm>>
      tpu.wait_dma2 semaphore(%arg12 : memref<!tpu.dma_semaphore, #tpu.memory_space<semaphore_mem>>) src(%dma_wait3A_131 : memref<4096xf32, #tpu.memory_space<hbm>>) dst(%dma_wait3A_130 : memref<4096xf32, #tpu.memory_space<vmem>>)
      %add3A_132 = arith.constant 131072 : i32
      %add3A_133 = arith.addi %add3A_132, %mul3A_113 : i32
      %dma_wait3A_134 = arith.constant 8192 : i32
      %dma_wait3A_135 = tpu.memref_slice %arg10[%dma_wait3A_134] : memref<12288xf32, #tpu.memory_space<vmem>> -> memref<4096xf32, #tpu.memory_space<vmem>>
      %dma_wait3A_136 = tpu.memref_slice %arg3[%add3A_133] : memref<196608xf32, #tpu.memory_space<hbm>> -> memref<4096xf32, #tpu.memory_space<hbm>>
      %dma_wait3A_137 = arith.constant 8192 : i32
      %dma_wait3A_138 = tpu.memref_slice %arg10[%dma_wait3A_137] : memref<12288xf32, #tpu.memory_space<vmem>> -> memref<4096xf32, #tpu.memory_space<vmem>>
      %dma_wait3A_139 = tpu.memref_slice %arg3[%add3A_133] : memref<196608xf32, #tpu.memory_space<hbm>> -> memref<4096xf32, #tpu.memory_space<hbm>>
      tpu.wait_dma2 semaphore(%arg12 : memref<!tpu.dma_semaphore, #tpu.memory_space<semaphore_mem>>) src(%dma_wait3A_139 : memref<4096xf32, #tpu.memory_space<hbm>>) dst(%dma_wait3A_138 : memref<4096xf32, #tpu.memory_space<vmem>>)
      %add3A_140 = arith.constant 2 : i32
      %add3A_141 = arith.addi %mul3A_45, %add3A_140 : i32
      %lt3A = arith.constant 16 : i32
      %lt3A_142 = arith.cmpi slt, %add3A_141, %lt3A : i32
      %convert_element_type3A = arith.extui %lt3A_142 : i1 to i32
      %cond3A = arith.constant 0 : i32
      %cond3A_143 = arith.cmpi ne, %convert_element_type3A, %cond3A : i32
      scf.if %cond3A_143 {
        %add3A_152 = arith.constant 2 : i32
        %add3A_153 = arith.addi %mul3A_45, %add3A_152 : i32
        %mul3A_154 = arith.constant 4096 : i32
        %mul3A_155 = arith.muli %add3A_153, %mul3A_154 : i32
        %dma_start3A_156 = tpu.memref_slice %arg2[%mul3A_155] : memref<65536xi32, #tpu.memory_space<hbm>> -> memref<4096xi32, #tpu.memory_space<hbm>>
        %dma_start3A_157 = tpu.memref_slice %arg2[%mul3A_155] : memref<65536xi32, #tpu.memory_space<hbm>> -> memref<4096xi32, #tpu.memory_space<hbm>>
        tpu.enqueue_dma source(%dma_start3A_157 : memref<4096xi32, #tpu.memory_space<hbm>>) target(%arg7 : memref<4096xi32, #tpu.memory_space<vmem>>) target_semaphore(%arg11 : memref<!tpu.dma_semaphore, #tpu.memory_space<semaphore_mem>>)
        %add3A_158 = arith.constant 0 : i32
        %add3A_159 = arith.addi %add3A_158, %mul3A_155 : i32
        %dma_start3A_160 = arith.constant 0 : i32
        %dma_start3A_161 = tpu.memref_slice %arg9[%dma_start3A_160] : memref<12288xf32, #tpu.memory_space<vmem>> -> memref<4096xf32, #tpu.memory_space<vmem>>
        %dma_start3A_162 = tpu.memref_slice %arg3[%add3A_159] : memref<196608xf32, #tpu.memory_space<hbm>> -> memref<4096xf32, #tpu.memory_space<hbm>>
        %dma_start3A_163 = arith.constant 0 : i32
        %dma_start3A_164 = tpu.memref_slice %arg9[%dma_start3A_163] : memref<12288xf32, #tpu.memory_space<vmem>> -> memref<4096xf32, #tpu.memory_space<vmem>>
        %dma_start3A_165 = tpu.memref_slice %arg3[%add3A_159] : memref<196608xf32, #tpu.memory_space<hbm>> -> memref<4096xf32, #tpu.memory_space<hbm>>
        tpu.enqueue_dma source(%dma_start3A_165 : memref<4096xf32, #tpu.memory_space<hbm>>) target(%dma_start3A_164 : memref<4096xf32, #tpu.memory_space<vmem>>) target_semaphore(%arg11 : memref<!tpu.dma_semaphore, #tpu.memory_space<semaphore_mem>>)
        %add3A_166 = arith.constant 65536 : i32
        %add3A_167 = arith.addi %add3A_166, %mul3A_155 : i32
        %dma_start3A_168 = arith.constant 4096 : i32
        %dma_start3A_169 = tpu.memref_slice %arg9[%dma_start3A_168] : memref<12288xf32, #tpu.memory_space<vmem>> -> memref<4096xf32, #tpu.memory_space<vmem>>
        %dma_start3A_170 = tpu.memref_slice %arg3[%add3A_167] : memref<196608xf32, #tpu.memory_space<hbm>> -> memref<4096xf32, #tpu.memory_space<hbm>>
        %dma_start3A_171 = arith.constant 4096 : i32
        %dma_start3A_172 = tpu.memref_slice %arg9[%dma_start3A_171] : memref<12288xf32, #tpu.memory_space<vmem>> -> memref<4096xf32, #tpu.memory_space<vmem>>
        %dma_start3A_173 = tpu.memref_slice %arg3[%add3A_167] : memref<196608xf32, #tpu.memory_space<hbm>> -> memref<4096xf32, #tpu.memory_space<hbm>>
        tpu.enqueue_dma source(%dma_start3A_173 : memref<4096xf32, #tpu.memory_space<hbm>>) target(%dma_start3A_172 : memref<4096xf32, #tpu.memory_space<vmem>>) target_semaphore(%arg11 : memref<!tpu.dma_semaphore, #tpu.memory_space<semaphore_mem>>)
        %add3A_174 = arith.constant 131072 : i32
        %add3A_175 = arith.addi %add3A_174, %mul3A_155 : i32
        %dma_start3A_176 = arith.constant 8192 : i32
        %dma_start3A_177 = tpu.memref_slice %arg9[%dma_start3A_176] : memref<12288xf32, #tpu.memory_space<vmem>> -> memref<4096xf32, #tpu.memory_space<vmem>>
        %dma_start3A_178 = tpu.memref_slice %arg3[%add3A_175] : memref<196608xf32, #tpu.memory_space<hbm>> -> memref<4096xf32, #tpu.memory_space<hbm>>
        %dma_start3A_179 = arith.constant 8192 : i32
        %dma_start3A_180 = tpu.memref_slice %arg9[%dma_start3A_179] : memref<12288xf32, #tpu.memory_space<vmem>> -> memref<4096xf32, #tpu.memory_space<vmem>>
        %dma_start3A_181 = tpu.memref_slice %arg3[%add3A_175] : memref<196608xf32, #tpu.memory_space<hbm>> -> memref<4096xf32, #tpu.memory_space<hbm>>
        tpu.enqueue_dma source(%dma_start3A_181 : memref<4096xf32, #tpu.memory_space<hbm>>) target(%dma_start3A_180 : memref<4096xf32, #tpu.memory_space<vmem>>) target_semaphore(%arg11 : memref<!tpu.dma_semaphore, #tpu.memory_space<semaphore_mem>>)
      } else {
      }
      %scan3A_144 = arith.constant 0 : i32
      %scan3A_145 = arith.constant 0 : i32
      %scan3A_146 = arith.constant 32 : i32
      %scan3A_147 = arith.addi %scan3A_145, %scan3A_146 : i32
      %scan3A_148 = arith.constant 1 : i32
      %scan3A_149 = scf.for %scan3A_152 = %scan3A_145 to %scan3A_147 step %scan3A_148 iter_args(%scan3A_153 = %scan3A_144) -> (i32)  : i32 {
        %mul3A_154 = arith.constant 128 : i32
        %mul3A_155 = arith.muli %scan3A_152, %mul3A_154 : i32
        %add3A_156 = arith.constant 0 : i32
        %add3A_157 = arith.addi %mul3A_155, %add3A_156 : i32
        %get3A = arith.index_cast %add3A_157 : i32 to index
        %get3A_158 = tpu.vector_load %arg8[%get3A] {strides = array<i32>} : memref<4096xi32, #tpu.memory_space<vmem>>, vector<16xi32>,
        %sub3A = vector.broadcast %mul3A_2 : i32 to vector<16xi32>
        %sub3A_159 = arith.subi %get3A_158, %sub3A : vector<16xi32>
        %ge3A = arith.constant 0 : i32
        %ge3A_160 = vector.broadcast %ge3A : i32 to vector<16xi32>
        %ge3A_161 = arith.cmpi sge, %sub3A_159, %ge3A_160 : vector<16xi32>
        %lt3A_162 = arith.constant 8192 : i32
        %lt3A_163 = vector.broadcast %lt3A_162 : i32 to vector<16xi32>
        %lt3A_164 = arith.cmpi slt, %sub3A_159, %lt3A_163 : vector<16xi32>
        %and3A = arith.andi %ge3A_161, %lt3A_164 : vector<16xi1>
        %add3A_165 = arith.constant 16 : i32
        %add3A_166 = arith.addi %mul3A_155, %add3A_165 : i32
        %get3A_167 = arith.index_cast %add3A_166 : i32 to index
        %get3A_168 = tpu.vector_load %arg8[%get3A_167] {strides = array<i32>} : memref<4096xi32, #tpu.memory_space<vmem>>, vector<16xi32>,
        %sub3A_169 = vector.broadcast %mul3A_2 : i32 to vector<16xi32>
        %sub3A_170 = arith.subi %get3A_168, %sub3A_169 : vector<16xi32>
        %ge3A_171 = arith.constant 0 : i32
        %ge3A_172 = vector.broadcast %ge3A_171 : i32 to vector<16xi32>
        %ge3A_173 = arith.cmpi sge, %sub3A_170, %ge3A_172 : vector<16xi32>
        %lt3A_174 = arith.constant 8192 : i32
        %lt3A_175 = vector.broadcast %lt3A_174 : i32 to vector<16xi32>
        %lt3A_176 = arith.cmpi slt, %sub3A_170, %lt3A_175 : vector<16xi32>
        %and3A_177 = arith.andi %ge3A_173, %lt3A_176 : vector<16xi1>
        %add3A_178 = arith.constant 32 : i32
        %add3A_179 = arith.addi %mul3A_155, %add3A_178 : i32
        %get3A_180 = arith.index_cast %add3A_179 : i32 to index
        %get3A_181 = tpu.vector_load %arg8[%get3A_180] {strides = array<i32>} : memref<4096xi32, #tpu.memory_space<vmem>>, vector<16xi32>,
        %sub3A_182 = vector.broadcast %mul3A_2 : i32 to vector<16xi32>
        %sub3A_183 = arith.subi %get3A_181, %sub3A_182 : vector<16xi32>
        %ge3A_184 = arith.constant 0 : i32
        %ge3A_185 = vector.broadcast %ge3A_184 : i32 to vector<16xi32>
        %ge3A_186 = arith.cmpi sge, %sub3A_183, %ge3A_185 : vector<16xi32>
        %lt3A_187 = arith.constant 8192 : i32
        %lt3A_188 = vector.broadcast %lt3A_187 : i32 to vector<16xi32>
        %lt3A_189 = arith.cmpi slt, %sub3A_183, %lt3A_188 : vector<16xi32>
        %and3A_190 = arith.andi %ge3A_186, %lt3A_189 : vector<16xi1>
        %add3A_191 = arith.constant 48 : i32
        %add3A_192 = arith.addi %mul3A_155, %add3A_191 : i32
        %get3A_193 = arith.index_cast %add3A_192 : i32 to index
        %get3A_194 = tpu.vector_load %arg8[%get3A_193] {strides = array<i32>} : memref<4096xi32, #tpu.memory_space<vmem>>, vector<16xi32>,
        %sub3A_195 = vector.broadcast %mul3A_2 : i32 to vector<16xi32>
        %sub3A_196 = arith.subi %get3A_194, %sub3A_195 : vector<16xi32>
        %ge3A_197 = arith.constant 0 : i32
        %ge3A_198 = vector.broadcast %ge3A_197 : i32 to vector<16xi32>
        %ge3A_199 = arith.cmpi sge, %sub3A_196, %ge3A_198 : vector<16xi32>
        %lt3A_200 = arith.constant 8192 : i32
        %lt3A_201 = vector.broadcast %lt3A_200 : i32 to vector<16xi32>
        %lt3A_202 = arith.cmpi slt, %sub3A_196, %lt3A_201 : vector<16xi32>
        %and3A_203 = arith.andi %ge3A_199, %lt3A_202 : vector<16xi1>
        %add3A_204 = arith.constant 64 : i32
        %add3A_205 = arith.addi %mul3A_155, %add3A_204 : i32
        %get3A_206 = arith.index_cast %add3A_205 : i32 to index
        %get3A_207 = tpu.vector_load %arg8[%get3A_206] {strides = array<i32>} : memref<4096xi32, #tpu.memory_space<vmem>>, vector<16xi32>,
        %sub3A_208 = vector.broadcast %mul3A_2 : i32 to vector<16xi32>
        %sub3A_209 = arith.subi %get3A_207, %sub3A_208 : vector<16xi32>
        %ge3A_210 = arith.constant 0 : i32
        %ge3A_211 = vector.broadcast %ge3A_210 : i32 to vector<16xi32>
        %ge3A_212 = arith.cmpi sge, %sub3A_209, %ge3A_211 : vector<16xi32>
        %lt3A_213 = arith.constant 8192 : i32
        %lt3A_214 = vector.broadcast %lt3A_213 : i32 to vector<16xi32>
        %lt3A_215 = arith.cmpi slt, %sub3A_209, %lt3A_214 : vector<16xi32>
        %and3A_216 = arith.andi %ge3A_212, %lt3A_215 : vector<16xi1>
        %add3A_217 = arith.constant 80 : i32
        %add3A_218 = arith.addi %mul3A_155, %add3A_217 : i32
        %get3A_219 = arith.index_cast %add3A_218 : i32 to index
        %get3A_220 = tpu.vector_load %arg8[%get3A_219] {strides = array<i32>} : memref<4096xi32, #tpu.memory_space<vmem>>, vector<16xi32>,
        %sub3A_221 = vector.broadcast %mul3A_2 : i32 to vector<16xi32>
        %sub3A_222 = arith.subi %get3A_220, %sub3A_221 : vector<16xi32>
        %ge3A_223 = arith.constant 0 : i32
        %ge3A_224 = vector.broadcast %ge3A_223 : i32 to vector<16xi32>
        %ge3A_225 = arith.cmpi sge, %sub3A_222, %ge3A_224 : vector<16xi32>
        %lt3A_226 = arith.constant 8192 : i32
        %lt3A_227 = vector.broadcast %lt3A_226 : i32 to vector<16xi32>
        %lt3A_228 = arith.cmpi slt, %sub3A_222, %lt3A_227 : vector<16xi32>
        %and3A_229 = arith.andi %ge3A_225, %lt3A_228 : vector<16xi1>
        %add3A_230 = arith.constant 96 : i32
        %add3A_231 = arith.addi %mul3A_155, %add3A_230 : i32
        %get3A_232 = arith.index_cast %add3A_231 : i32 to index
        %get3A_233 = tpu.vector_load %arg8[%get3A_232] {strides = array<i32>} : memref<4096xi32, #tpu.memory_space<vmem>>, vector<16xi32>,
        %sub3A_234 = vector.broadcast %mul3A_2 : i32 to vector<16xi32>
        %sub3A_235 = arith.subi %get3A_233, %sub3A_234 : vector<16xi32>
        %ge3A_236 = arith.constant 0 : i32
        %ge3A_237 = vector.broadcast %ge3A_236 : i32 to vector<16xi32>
        %ge3A_238 = arith.cmpi sge, %sub3A_235, %ge3A_237 : vector<16xi32>
        %lt3A_239 = arith.constant 8192 : i32
        %lt3A_240 = vector.broadcast %lt3A_239 : i32 to vector<16xi32>
        %lt3A_241 = arith.cmpi slt, %sub3A_235, %lt3A_240 : vector<16xi32>
        %and3A_242 = arith.andi %ge3A_238, %lt3A_241 : vector<16xi1>
        %add3A_243 = arith.constant 112 : i32
        %add3A_244 = arith.addi %mul3A_155, %add3A_243 : i32
        %get3A_245 = arith.index_cast %add3A_244 : i32 to index
        %get3A_246 = tpu.vector_load %arg8[%get3A_245] {strides = array<i32>} : memref<4096xi32, #tpu.memory_space<vmem>>, vector<16xi32>,
        %sub3A_247 = vector.broadcast %mul3A_2 : i32 to vector<16xi32>
        %sub3A_248 = arith.subi %get3A_246, %sub3A_247 : vector<16xi32>
        %ge3A_249 = arith.constant 0 : i32
        %ge3A_250 = vector.broadcast %ge3A_249 : i32 to vector<16xi32>
        %ge3A_251 = arith.cmpi sge, %sub3A_248, %ge3A_250 : vector<16xi32>
        %lt3A_252 = arith.constant 8192 : i32
        %lt3A_253 = vector.broadcast %lt3A_252 : i32 to vector<16xi32>
        %lt3A_254 = arith.cmpi slt, %sub3A_248, %lt3A_253 : vector<16xi32>
        %and3A_255 = arith.andi %ge3A_251, %lt3A_254 : vector<16xi1>
        %or3A = arith.ori %and3A, %and3A_177 : vector<16xi1>
        %or3A_256 = arith.ori %or3A, %and3A_190 : vector<16xi1>
        %or3A_257 = arith.ori %or3A_256, %and3A_203 : vector<16xi1>
        %or3A_258 = arith.ori %or3A_257, %and3A_216 : vector<16xi1>
        %or3A_259 = arith.ori %or3A_258, %and3A_229 : vector<16xi1>
        %or3A_260 = arith.ori %or3A_259, %and3A_242 : vector<16xi1>
        %or3A_261 = arith.ori %or3A_260, %and3A_255 : vector<16xi1>
        %all_reduce_population_count3A = tpu.all_reduce %or3A_261 {dim = 0 : i64, kind = #tpu.reduction_kind<sum>} : vector<16xi1> -> vector<16xi32>
        %slice3A = vector.extract_strided_slice %all_reduce_population_count3A {offsets = [0], sizes = [1], strides = [1]} : vector<16xi32> to vector<1xi32>
        %squeeze3A = vector.extract %slice3A[0] : i32 from vector<1xi32>
        %gt3A = arith.constant 0 : i32
        %gt3A_262 = arith.cmpi sgt, %squeeze3A, %gt3A : i32
        %convert_element_type3A_263 = arith.extui %gt3A_262 : i1 to i32
        %cond3A_264 = arith.constant 0 : i32
        %cond3A_265 = arith.cmpi ne, %convert_element_type3A_263, %cond3A_264 : i32
        scf.if %cond3A_265 {
          %jit3A = arith.constant 0 : i32
          %broadcast_in_dim3A = vector.broadcast %jit3A : i32 to vector<16xi32>
          %select_n3A = arith.select %and3A, %sub3A_159, %broadcast_in_dim3A : vector<16xi1>, vector<16xi32>
          %add3A_267 = arith.constant 0 : i32
          %add3A_268 = arith.addi %add3A_267, %mul3A_155 : i32
          %add3A_269 = arith.constant 0 : i32
          %add3A_270 = arith.addi %add3A_268, %add3A_269 : i32
          %get3A_271 = arith.index_cast %add3A_270 : i32 to index
          %get3A_272 = tpu.vector_load %arg10[%get3A_271] {strides = array<i32>} : memref<12288xf32, #tpu.memory_space<vmem>>, vector<16xf32>,
          %add3A_273 = arith.constant 0 : i32
          %add3A_274 = vector.broadcast %add3A_273 : i32 to vector<16xi32>
          %add3A_275 = arith.addi %select_n3A, %add3A_274 : vector<16xi32>
          tpu.vector_store_idx %arg6[%add3A_275], %get3A_272 masked %and3A : memref<24576xf32, #tpu.memory_space<vmem>>[vector<16xi32>], vector<16xf32>, vector<16xi1>
          %add3A_276 = arith.constant 4096 : i32
          %add3A_277 = arith.addi %add3A_276, %mul3A_155 : i32
          %add3A_278 = arith.constant 0 : i32
          %add3A_279 = arith.addi %add3A_277, %add3A_278 : i32
          %get3A_280 = arith.index_cast %add3A_279 : i32 to index
          %get3A_281 = tpu.vector_load %arg10[%get3A_280] {strides = array<i32>} : memref<12288xf32, #tpu.memory_space<vmem>>, vector<16xf32>,
          %add3A_282 = arith.constant 8192 : i32
          %add3A_283 = vector.broadcast %add3A_282 : i32 to vector<16xi32>
          %add3A_284 = arith.addi %select_n3A, %add3A_283 : vector<16xi32>
          tpu.vector_store_idx %arg6[%add3A_284], %get3A_281 masked %and3A : memref<24576xf32, #tpu.memory_space<vmem>>[vector<16xi32>], vector<16xf32>, vector<16xi1>
          %add3A_285 = arith.constant 8192 : i32
          %add3A_286 = arith.addi %add3A_285, %mul3A_155 : i32
          %add3A_287 = arith.constant 0 : i32
          %add3A_288 = arith.addi %add3A_286, %add3A_287 : i32
          %get3A_289 = arith.index_cast %add3A_288 : i32 to index
          %get3A_290 = tpu.vector_load %arg10[%get3A_289] {strides = array<i32>} : memref<12288xf32, #tpu.memory_space<vmem>>, vector<16xf32>,
          %add3A_291 = arith.constant 16384 : i32
          %add3A_292 = vector.broadcast %add3A_291 : i32 to vector<16xi32>
          %add3A_293 = arith.addi %select_n3A, %add3A_292 : vector<16xi32>
          tpu.vector_store_idx %arg6[%add3A_293], %get3A_290 masked %and3A : memref<24576xf32, #tpu.memory_space<vmem>>[vector<16xi32>], vector<16xf32>, vector<16xi1>
          %jit3A_294 = arith.constant 0 : i32
          %broadcast_in_dim3A_295 = vector.broadcast %jit3A_294 : i32 to vector<16xi32>
          %select_n3A_296 = arith.select %and3A_177, %sub3A_170, %broadcast_in_dim3A_295 : vector<16xi1>, vector<16xi32>
          %add3A_297 = arith.constant 0 : i32
          %add3A_298 = arith.addi %add3A_297, %mul3A_155 : i32
          %add3A_299 = arith.constant 16 : i32
          %add3A_300 = arith.addi %add3A_298, %add3A_299 : i32
          %get3A_301 = arith.index_cast %add3A_300 : i32 to index
          %get3A_302 = tpu.vector_load %arg10[%get3A_301] {strides = array<i32>} : memref<12288xf32, #tpu.memory_space<vmem>>, vector<16xf32>,
          %add3A_303 = arith.constant 0 : i32
          %add3A_304 = vector.broadcast %add3A_303 : i32 to vector<16xi32>
          %add3A_305 = arith.addi %select_n3A_296, %add3A_304 : vector<16xi32>
          tpu.vector_store_idx %arg6[%add3A_305], %get3A_302 masked %and3A_177 : memref<24576xf32, #tpu.memory_space<vmem>>[vector<16xi32>], vector<16xf32>, vector<16xi1>
          %add3A_306 = arith.constant 4096 : i32
          %add3A_307 = arith.addi %add3A_306, %mul3A_155 : i32
          %add3A_308 = arith.constant 16 : i32
          %add3A_309 = arith.addi %add3A_307, %add3A_308 : i32
          %get3A_310 = arith.index_cast %add3A_309 : i32 to index
          %get3A_311 = tpu.vector_load %arg10[%get3A_310] {strides = array<i32>} : memref<12288xf32, #tpu.memory_space<vmem>>, vector<16xf32>,
          %add3A_312 = arith.constant 8192 : i32
          %add3A_313 = vector.broadcast %add3A_312 : i32 to vector<16xi32>
          %add3A_314 = arith.addi %select_n3A_296, %add3A_313 : vector<16xi32>
          tpu.vector_store_idx %arg6[%add3A_314], %get3A_311 masked %and3A_177 : memref<24576xf32, #tpu.memory_space<vmem>>[vector<16xi32>], vector<16xf32>, vector<16xi1>
          %add3A_315 = arith.constant 8192 : i32
          %add3A_316 = arith.addi %add3A_315, %mul3A_155 : i32
          %add3A_317 = arith.constant 16 : i32
          %add3A_318 = arith.addi %add3A_316, %add3A_317 : i32
          %get3A_319 = arith.index_cast %add3A_318 : i32 to index
          %get3A_320 = tpu.vector_load %arg10[%get3A_319] {strides = array<i32>} : memref<12288xf32, #tpu.memory_space<vmem>>, vector<16xf32>,
          %add3A_321 = arith.constant 16384 : i32
          %add3A_322 = vector.broadcast %add3A_321 : i32 to vector<16xi32>
          %add3A_323 = arith.addi %select_n3A_296, %add3A_322 : vector<16xi32>
          tpu.vector_store_idx %arg6[%add3A_323], %get3A_320 masked %and3A_177 : memref<24576xf32, #tpu.memory_space<vmem>>[vector<16xi32>], vector<16xf32>, vector<16xi1>
          %jit3A_324 = arith.constant 0 : i32
          %broadcast_in_dim3A_325 = vector.broadcast %jit3A_324 : i32 to vector<16xi32>
          %select_n3A_326 = arith.select %and3A_190, %sub3A_183, %broadcast_in_dim3A_325 : vector<16xi1>, vector<16xi32>
          %add3A_327 = arith.constant 0 : i32
          %add3A_328 = arith.addi %add3A_327, %mul3A_155 : i32
          %add3A_329 = arith.constant 32 : i32
          %add3A_330 = arith.addi %add3A_328, %add3A_329 : i32
          %get3A_331 = arith.index_cast %add3A_330 : i32 to index
          %get3A_332 = tpu.vector_load %arg10[%get3A_331] {strides = array<i32>} : memref<12288xf32, #tpu.memory_space<vmem>>, vector<16xf32>,
          %add3A_333 = arith.constant 0 : i32
          %add3A_334 = vector.broadcast %add3A_333 : i32 to vector<16xi32>
          %add3A_335 = arith.addi %select_n3A_326, %add3A_334 : vector<16xi32>
          tpu.vector_store_idx %arg6[%add3A_335], %get3A_332 masked %and3A_190 : memref<24576xf32, #tpu.memory_space<vmem>>[vector<16xi32>], vector<16xf32>, vector<16xi1>
          %add3A_336 = arith.constant 4096 : i32
          %add3A_337 = arith.addi %add3A_336, %mul3A_155 : i32
          %add3A_338 = arith.constant 32 : i32
          %add3A_339 = arith.addi %add3A_337, %add3A_338 : i32
          %get3A_340 = arith.index_cast %add3A_339 : i32 to index
          %get3A_341 = tpu.vector_load %arg10[%get3A_340] {strides = array<i32>} : memref<12288xf32, #tpu.memory_space<vmem>>, vector<16xf32>,
          %add3A_342 = arith.constant 8192 : i32
          %add3A_343 = vector.broadcast %add3A_342 : i32 to vector<16xi32>
          %add3A_344 = arith.addi %select_n3A_326, %add3A_343 : vector<16xi32>
          tpu.vector_store_idx %arg6[%add3A_344], %get3A_341 masked %and3A_190 : memref<24576xf32, #tpu.memory_space<vmem>>[vector<16xi32>], vector<16xf32>, vector<16xi1>
          %add3A_345 = arith.constant 8192 : i32
          %add3A_346 = arith.addi %add3A_345, %mul3A_155 : i32
          %add3A_347 = arith.constant 32 : i32
          %add3A_348 = arith.addi %add3A_346, %add3A_347 : i32
          %get3A_349 = arith.index_cast %add3A_348 : i32 to index
          %get3A_350 = tpu.vector_load %arg10[%get3A_349] {strides = array<i32>} : memref<12288xf32, #tpu.memory_space<vmem>>, vector<16xf32>,
          %add3A_351 = arith.constant 16384 : i32
          %add3A_352 = vector.broadcast %add3A_351 : i32 to vector<16xi32>
          %add3A_353 = arith.addi %select_n3A_326, %add3A_352 : vector<16xi32>
          tpu.vector_store_idx %arg6[%add3A_353], %get3A_350 masked %and3A_190 : memref<24576xf32, #tpu.memory_space<vmem>>[vector<16xi32>], vector<16xf32>, vector<16xi1>
          %jit3A_354 = arith.constant 0 : i32
          %broadcast_in_dim3A_355 = vector.broadcast %jit3A_354 : i32 to vector<16xi32>
          %select_n3A_356 = arith.select %and3A_203, %sub3A_196, %broadcast_in_dim3A_355 : vector<16xi1>, vector<16xi32>
          %add3A_357 = arith.constant 0 : i32
          %add3A_358 = arith.addi %add3A_357, %mul3A_155 : i32
          %add3A_359 = arith.constant 48 : i32
          %add3A_360 = arith.addi %add3A_358, %add3A_359 : i32
          %get3A_361 = arith.index_cast %add3A_360 : i32 to index
          %get3A_362 = tpu.vector_load %arg10[%get3A_361] {strides = array<i32>} : memref<12288xf32, #tpu.memory_space<vmem>>, vector<16xf32>,
          %add3A_363 = arith.constant 0 : i32
          %add3A_364 = vector.broadcast %add3A_363 : i32 to vector<16xi32>
          %add3A_365 = arith.addi %select_n3A_356, %add3A_364 : vector<16xi32>
          tpu.vector_store_idx %arg6[%add3A_365], %get3A_362 masked %and3A_203 : memref<24576xf32, #tpu.memory_space<vmem>>[vector<16xi32>], vector<16xf32>, vector<16xi1>
          %add3A_366 = arith.constant 4096 : i32
          %add3A_367 = arith.addi %add3A_366, %mul3A_155 : i32
          %add3A_368 = arith.constant 48 : i32
          %add3A_369 = arith.addi %add3A_367, %add3A_368 : i32
          %get3A_370 = arith.index_cast %add3A_369 : i32 to index
          %get3A_371 = tpu.vector_load %arg10[%get3A_370] {strides = array<i32>} : memref<12288xf32, #tpu.memory_space<vmem>>, vector<16xf32>,
          %add3A_372 = arith.constant 8192 : i32
          %add3A_373 = vector.broadcast %add3A_372 : i32 to vector<16xi32>
          %add3A_374 = arith.addi %select_n3A_356, %add3A_373 : vector<16xi32>
          tpu.vector_store_idx %arg6[%add3A_374], %get3A_371 masked %and3A_203 : memref<24576xf32, #tpu.memory_space<vmem>>[vector<16xi32>], vector<16xf32>, vector<16xi1>
          %add3A_375 = arith.constant 8192 : i32
          %add3A_376 = arith.addi %add3A_375, %mul3A_155 : i32
          %add3A_377 = arith.constant 48 : i32
          %add3A_378 = arith.addi %add3A_376, %add3A_377 : i32
          %get3A_379 = arith.index_cast %add3A_378 : i32 to index
          %get3A_380 = tpu.vector_load %arg10[%get3A_379] {strides = array<i32>} : memref<12288xf32, #tpu.memory_space<vmem>>, vector<16xf32>,
          %add3A_381 = arith.constant 16384 : i32
          %add3A_382 = vector.broadcast %add3A_381 : i32 to vector<16xi32>
          %add3A_383 = arith.addi %select_n3A_356, %add3A_382 : vector<16xi32>
          tpu.vector_store_idx %arg6[%add3A_383], %get3A_380 masked %and3A_203 : memref<24576xf32, #tpu.memory_space<vmem>>[vector<16xi32>], vector<16xf32>, vector<16xi1>
          %jit3A_384 = arith.constant 0 : i32
          %broadcast_in_dim3A_385 = vector.broadcast %jit3A_384 : i32 to vector<16xi32>
          %select_n3A_386 = arith.select %and3A_216, %sub3A_209, %broadcast_in_dim3A_385 : vector<16xi1>, vector<16xi32>
          %add3A_387 = arith.constant 0 : i32
          %add3A_388 = arith.addi %add3A_387, %mul3A_155 : i32
          %add3A_389 = arith.constant 64 : i32
          %add3A_390 = arith.addi %add3A_388, %add3A_389 : i32
          %get3A_391 = arith.index_cast %add3A_390 : i32 to index
          %get3A_392 = tpu.vector_load %arg10[%get3A_391] {strides = array<i32>} : memref<12288xf32, #tpu.memory_space<vmem>>, vector<16xf32>,
          %add3A_393 = arith.constant 0 : i32
          %add3A_394 = vector.broadcast %add3A_393 : i32 to vector<16xi32>
          %add3A_395 = arith.addi %select_n3A_386, %add3A_394 : vector<16xi32>
          tpu.vector_store_idx %arg6[%add3A_395], %get3A_392 masked %and3A_216 : memref<24576xf32, #tpu.memory_space<vmem>>[vector<16xi32>], vector<16xf32>, vector<16xi1>
          %add3A_396 = arith.constant 4096 : i32
          %add3A_397 = arith.addi %add3A_396, %mul3A_155 : i32
          %add3A_398 = arith.constant 64 : i32
          %add3A_399 = arith.addi %add3A_397, %add3A_398 : i32
          %get3A_400 = arith.index_cast %add3A_399 : i32 to index
          %get3A_401 = tpu.vector_load %arg10[%get3A_400] {strides = array<i32>} : memref<12288xf32, #tpu.memory_space<vmem>>, vector<16xf32>,
          %add3A_402 = arith.constant 8192 : i32
          %add3A_403 = vector.broadcast %add3A_402 : i32 to vector<16xi32>
          %add3A_404 = arith.addi %select_n3A_386, %add3A_403 : vector<16xi32>
          tpu.vector_store_idx %arg6[%add3A_404], %get3A_401 masked %and3A_216 : memref<24576xf32, #tpu.memory_space<vmem>>[vector<16xi32>], vector<16xf32>, vector<16xi1>
          %add3A_405 = arith.constant 8192 : i32
          %add3A_406 = arith.addi %add3A_405, %mul3A_155 : i32
          %add3A_407 = arith.constant 64 : i32
          %add3A_408 = arith.addi %add3A_406, %add3A_407 : i32
          %get3A_409 = arith.index_cast %add3A_408 : i32 to index
          %get3A_410 = tpu.vector_load %arg10[%get3A_409] {strides = array<i32>} : memref<12288xf32, #tpu.memory_space<vmem>>, vector<16xf32>,
          %add3A_411 = arith.constant 16384 : i32
          %add3A_412 = vector.broadcast %add3A_411 : i32 to vector<16xi32>
          %add3A_413 = arith.addi %select_n3A_386, %add3A_412 : vector<16xi32>
          tpu.vector_store_idx %arg6[%add3A_413], %get3A_410 masked %and3A_216 : memref<24576xf32, #tpu.memory_space<vmem>>[vector<16xi32>], vector<16xf32>, vector<16xi1>
          %jit3A_414 = arith.constant 0 : i32
          %broadcast_in_dim3A_415 = vector.broadcast %jit3A_414 : i32 to vector<16xi32>
          %select_n3A_416 = arith.select %and3A_229, %sub3A_222, %broadcast_in_dim3A_415 : vector<16xi1>, vector<16xi32>
          %add3A_417 = arith.constant 0 : i32
          %add3A_418 = arith.addi %add3A_417, %mul3A_155 : i32
          %add3A_419 = arith.constant 80 : i32
          %add3A_420 = arith.addi %add3A_418, %add3A_419 : i32
          %get3A_421 = arith.index_cast %add3A_420 : i32 to index
          %get3A_422 = tpu.vector_load %arg10[%get3A_421] {strides = array<i32>} : memref<12288xf32, #tpu.memory_space<vmem>>, vector<16xf32>,
          %add3A_423 = arith.constant 0 : i32
          %add3A_424 = vector.broadcast %add3A_423 : i32 to vector<16xi32>
          %add3A_425 = arith.addi %select_n3A_416, %add3A_424 : vector<16xi32>
          tpu.vector_store_idx %arg6[%add3A_425], %get3A_422 masked %and3A_229 : memref<24576xf32, #tpu.memory_space<vmem>>[vector<16xi32>], vector<16xf32>, vector<16xi1>
          %add3A_426 = arith.constant 4096 : i32
          %add3A_427 = arith.addi %add3A_426, %mul3A_155 : i32
          %add3A_428 = arith.constant 80 : i32
          %add3A_429 = arith.addi %add3A_427, %add3A_428 : i32
          %get3A_430 = arith.index_cast %add3A_429 : i32 to index
          %get3A_431 = tpu.vector_load %arg10[%get3A_430] {strides = array<i32>} : memref<12288xf32, #tpu.memory_space<vmem>>, vector<16xf32>,
          %add3A_432 = arith.constant 8192 : i32
          %add3A_433 = vector.broadcast %add3A_432 : i32 to vector<16xi32>
          %add3A_434 = arith.addi %select_n3A_416, %add3A_433 : vector<16xi32>
          tpu.vector_store_idx %arg6[%add3A_434], %get3A_431 masked %and3A_229 : memref<24576xf32, #tpu.memory_space<vmem>>[vector<16xi32>], vector<16xf32>, vector<16xi1>
          %add3A_435 = arith.constant 8192 : i32
          %add3A_436 = arith.addi %add3A_435, %mul3A_155 : i32
          %add3A_437 = arith.constant 80 : i32
          %add3A_438 = arith.addi %add3A_436, %add3A_437 : i32
          %get3A_439 = arith.index_cast %add3A_438 : i32 to index
          %get3A_440 = tpu.vector_load %arg10[%get3A_439] {strides = array<i32>} : memref<12288xf32, #tpu.memory_space<vmem>>, vector<16xf32>,
          %add3A_441 = arith.constant 16384 : i32
          %add3A_442 = vector.broadcast %add3A_441 : i32 to vector<16xi32>
          %add3A_443 = arith.addi %select_n3A_416, %add3A_442 : vector<16xi32>
          tpu.vector_store_idx %arg6[%add3A_443], %get3A_440 masked %and3A_229 : memref<24576xf32, #tpu.memory_space<vmem>>[vector<16xi32>], vector<16xf32>, vector<16xi1>
          %jit3A_444 = arith.constant 0 : i32
          %broadcast_in_dim3A_445 = vector.broadcast %jit3A_444 : i32 to vector<16xi32>
          %select_n3A_446 = arith.select %and3A_242, %sub3A_235, %broadcast_in_dim3A_445 : vector<16xi1>, vector<16xi32>
          %add3A_447 = arith.constant 0 : i32
          %add3A_448 = arith.addi %add3A_447, %mul3A_155 : i32
          %add3A_449 = arith.constant 96 : i32
          %add3A_450 = arith.addi %add3A_448, %add3A_449 : i32
          %get3A_451 = arith.index_cast %add3A_450 : i32 to index
          %get3A_452 = tpu.vector_load %arg10[%get3A_451] {strides = array<i32>} : memref<12288xf32, #tpu.memory_space<vmem>>, vector<16xf32>,
          %add3A_453 = arith.constant 0 : i32
          %add3A_454 = vector.broadcast %add3A_453 : i32 to vector<16xi32>
          %add3A_455 = arith.addi %select_n3A_446, %add3A_454 : vector<16xi32>
          tpu.vector_store_idx %arg6[%add3A_455], %get3A_452 masked %and3A_242 : memref<24576xf32, #tpu.memory_space<vmem>>[vector<16xi32>], vector<16xf32>, vector<16xi1>
          %add3A_456 = arith.constant 4096 : i32
          %add3A_457 = arith.addi %add3A_456, %mul3A_155 : i32
          %add3A_458 = arith.constant 96 : i32
          %add3A_459 = arith.addi %add3A_457, %add3A_458 : i32
          %get3A_460 = arith.index_cast %add3A_459 : i32 to index
          %get3A_461 = tpu.vector_load %arg10[%get3A_460] {strides = array<i32>} : memref<12288xf32, #tpu.memory_space<vmem>>, vector<16xf32>,
          %add3A_462 = arith.constant 8192 : i32
          %add3A_463 = vector.broadcast %add3A_462 : i32 to vector<16xi32>
          %add3A_464 = arith.addi %select_n3A_446, %add3A_463 : vector<16xi32>
          tpu.vector_store_idx %arg6[%add3A_464], %get3A_461 masked %and3A_242 : memref<24576xf32, #tpu.memory_space<vmem>>[vector<16xi32>], vector<16xf32>, vector<16xi1>
          %add3A_465 = arith.constant 8192 : i32
          %add3A_466 = arith.addi %add3A_465, %mul3A_155 : i32
          %add3A_467 = arith.constant 96 : i32
          %add3A_468 = arith.addi %add3A_466, %add3A_467 : i32
          %get3A_469 = arith.index_cast %add3A_468 : i32 to index
          %get3A_470 = tpu.vector_load %arg10[%get3A_469] {strides = array<i32>} : memref<12288xf32, #tpu.memory_space<vmem>>, vector<16xf32>,
          %add3A_471 = arith.constant 16384 : i32
          %add3A_472 = vector.broadcast %add3A_471 : i32 to vector<16xi32>
          %add3A_473 = arith.addi %select_n3A_446, %add3A_472 : vector<16xi32>
          tpu.vector_store_idx %arg6[%add3A_473], %get3A_470 masked %and3A_242 : memref<24576xf32, #tpu.memory_space<vmem>>[vector<16xi32>], vector<16xf32>, vector<16xi1>
          %jit3A_474 = arith.constant 0 : i32
          %broadcast_in_dim3A_475 = vector.broadcast %jit3A_474 : i32 to vector<16xi32>
          %select_n3A_476 = arith.select %and3A_255, %sub3A_248, %broadcast_in_dim3A_475 : vector<16xi1>, vector<16xi32>
          %add3A_477 = arith.constant 0 : i32
          %add3A_478 = arith.addi %add3A_477, %mul3A_155 : i32
          %add3A_479 = arith.constant 112 : i32
          %add3A_480 = arith.addi %add3A_478, %add3A_479 : i32
          %get3A_481 = arith.index_cast %add3A_480 : i32 to index
          %get3A_482 = tpu.vector_load %arg10[%get3A_481] {strides = array<i32>} : memref<12288xf32, #tpu.memory_space<vmem>>, vector<16xf32>,
          %add3A_483 = arith.constant 0 : i32
          %add3A_484 = vector.broadcast %add3A_483 : i32 to vector<16xi32>
          %add3A_485 = arith.addi %select_n3A_476, %add3A_484 : vector<16xi32>
          tpu.vector_store_idx %arg6[%add3A_485], %get3A_482 masked %and3A_255 : memref<24576xf32, #tpu.memory_space<vmem>>[vector<16xi32>], vector<16xf32>, vector<16xi1>
          %add3A_486 = arith.constant 4096 : i32
          %add3A_487 = arith.addi %add3A_486, %mul3A_155 : i32
          %add3A_488 = arith.constant 112 : i32
          %add3A_489 = arith.addi %add3A_487, %add3A_488 : i32
          %get3A_490 = arith.index_cast %add3A_489 : i32 to index
          %get3A_491 = tpu.vector_load %arg10[%get3A_490] {strides = array<i32>} : memref<12288xf32, #tpu.memory_space<vmem>>, vector<16xf32>,
          %add3A_492 = arith.constant 8192 : i32
          %add3A_493 = vector.broadcast %add3A_492 : i32 to vector<16xi32>
          %add3A_494 = arith.addi %select_n3A_476, %add3A_493 : vector<16xi32>
          tpu.vector_store_idx %arg6[%add3A_494], %get3A_491 masked %and3A_255 : memref<24576xf32, #tpu.memory_space<vmem>>[vector<16xi32>], vector<16xf32>, vector<16xi1>
          %add3A_495 = arith.constant 8192 : i32
          %add3A_496 = arith.addi %add3A_495, %mul3A_155 : i32
          %add3A_497 = arith.constant 112 : i32
          %add3A_498 = arith.addi %add3A_496, %add3A_497 : i32
          %get3A_499 = arith.index_cast %add3A_498 : i32 to index
          %get3A_500 = tpu.vector_load %arg10[%get3A_499] {strides = array<i32>} : memref<12288xf32, #tpu.memory_space<vmem>>, vector<16xf32>,
          %add3A_501 = arith.constant 16384 : i32
          %add3A_502 = vector.broadcast %add3A_501 : i32 to vector<16xi32>
          %add3A_503 = arith.addi %select_n3A_476, %add3A_502 : vector<16xi32>
          tpu.vector_store_idx %arg6[%add3A_503], %get3A_500 masked %and3A_255 : memref<24576xf32, #tpu.memory_space<vmem>>[vector<16xi32>], vector<16xf32>, vector<16xi1>
        } else {
        }
        %scan3A_266 = arith.constant 0 : i32
        scf.yield %scan3A_266 : i32
      }
      %scan3A_150 = arith.constant 32 : i32
      %scan3A_151 = arith.constant 0 : i32
      scf.yield %scan3A_151 : i32
    }
    %scan3A_35 = arith.constant 8 : i32
    %add3A_36 = arith.constant 0 : i32
    %add3A_37 = arith.addi %add3A_36, %mul3A_2 : i32
    "tpu.region"() ({
      %run_scoped3A = tpu.sem_alloc : memref<!tpu.dma_semaphore, #tpu.memory_space<semaphore_mem>>
      %dma_start3A_42 = arith.constant 0 : i32
      %dma_start3A_43 = tpu.memref_slice %arg6[%dma_start3A_42] : memref<24576xf32, #tpu.memory_space<vmem>> -> memref<8192xf32, #tpu.memory_space<vmem>>
      %dma_start3A_44 = tpu.memref_slice %arg5[%add3A_37] : memref<786432xf32, #tpu.memory_space<hbm>> -> memref<8192xf32, #tpu.memory_space<hbm>>
      %dma_start3A_45 = tpu.memref_slice %arg5[%add3A_37] : memref<786432xf32, #tpu.memory_space<hbm>> -> memref<8192xf32, #tpu.memory_space<hbm>>
      %dma_start3A_46 = arith.constant 0 : i32
      %dma_start3A_47 = tpu.memref_slice %arg6[%dma_start3A_46] : memref<24576xf32, #tpu.memory_space<vmem>> -> memref<8192xf32, #tpu.memory_space<vmem>>
      tpu.enqueue_dma source(%dma_start3A_47 : memref<8192xf32, #tpu.memory_space<vmem>>) target(%dma_start3A_45 : memref<8192xf32, #tpu.memory_space<hbm>>) target_semaphore(%run_scoped3A : memref<!tpu.dma_semaphore, #tpu.memory_space<semaphore_mem>>)
      %dma_wait3A = arith.constant 0 : i32
      %dma_wait3A_48 = tpu.memref_slice %arg6[%dma_wait3A] : memref<24576xf32, #tpu.memory_space<vmem>> -> memref<8192xf32, #tpu.memory_space<vmem>>
      %dma_wait3A_49 = tpu.memref_slice %arg5[%add3A_37] : memref<786432xf32, #tpu.memory_space<hbm>> -> memref<8192xf32, #tpu.memory_space<hbm>>
      %dma_wait3A_50 = tpu.memref_slice %arg5[%add3A_37] : memref<786432xf32, #tpu.memory_space<hbm>> -> memref<8192xf32, #tpu.memory_space<hbm>>
      %dma_wait3A_51 = arith.constant 0 : i32
      %dma_wait3A_52 = tpu.memref_slice %arg6[%dma_wait3A_51] : memref<24576xf32, #tpu.memory_space<vmem>> -> memref<8192xf32, #tpu.memory_space<vmem>>
      tpu.wait_dma2 semaphore(%run_scoped3A : memref<!tpu.dma_semaphore, #tpu.memory_space<semaphore_mem>>) src(%dma_wait3A_52 : memref<8192xf32, #tpu.memory_space<vmem>>) dst(%dma_wait3A_50 : memref<8192xf32, #tpu.memory_space<hbm>>)
      tpu.yield
    }) : () -> ()
    %add3A_38 = arith.constant 262144 : i32
    %add3A_39 = arith.addi %add3A_38, %mul3A_2 : i32
    "tpu.region"() ({
      %run_scoped3A = tpu.sem_alloc : memref<!tpu.dma_semaphore, #tpu.memory_space<semaphore_mem>>
      %dma_start3A_42 = arith.constant 8192 : i32
      %dma_start3A_43 = tpu.memref_slice %arg6[%dma_start3A_42] : memref<24576xf32, #tpu.memory_space<vmem>> -> memref<8192xf32, #tpu.memory_space<vmem>>
      %dma_start3A_44 = tpu.memref_slice %arg5[%add3A_39] : memref<786432xf32, #tpu.memory_space<hbm>> -> memref<8192xf32, #tpu.memory_space<hbm>>
      %dma_start3A_45 = tpu.memref_slice %arg5[%add3A_39] : memref<786432xf32, #tpu.memory_space<hbm>> -> memref<8192xf32, #tpu.memory_space<hbm>>
      %dma_start3A_46 = arith.constant 8192 : i32
      %dma_start3A_47 = tpu.memref_slice %arg6[%dma_start3A_46] : memref<24576xf32, #tpu.memory_space<vmem>> -> memref<8192xf32, #tpu.memory_space<vmem>>
      tpu.enqueue_dma source(%dma_start3A_47 : memref<8192xf32, #tpu.memory_space<vmem>>) target(%dma_start3A_45 : memref<8192xf32, #tpu.memory_space<hbm>>) target_semaphore(%run_scoped3A : memref<!tpu.dma_semaphore, #tpu.memory_space<semaphore_mem>>)
      %dma_wait3A = arith.constant 8192 : i32
      %dma_wait3A_48 = tpu.memref_slice %arg6[%dma_wait3A] : memref<24576xf32, #tpu.memory_space<vmem>> -> memref<8192xf32, #tpu.memory_space<vmem>>
      %dma_wait3A_49 = tpu.memref_slice %arg5[%add3A_39] : memref<786432xf32, #tpu.memory_space<hbm>> -> memref<8192xf32, #tpu.memory_space<hbm>>
      %dma_wait3A_50 = tpu.memref_slice %arg5[%add3A_39] : memref<786432xf32, #tpu.memory_space<hbm>> -> memref<8192xf32, #tpu.memory_space<hbm>>
      %dma_wait3A_51 = arith.constant 8192 : i32
      %dma_wait3A_52 = tpu.memref_slice %arg6[%dma_wait3A_51] : memref<24576xf32, #tpu.memory_space<vmem>> -> memref<8192xf32, #tpu.memory_space<vmem>>
      tpu.wait_dma2 semaphore(%run_scoped3A : memref<!tpu.dma_semaphore, #tpu.memory_space<semaphore_mem>>) src(%dma_wait3A_52 : memref<8192xf32, #tpu.memory_space<vmem>>) dst(%dma_wait3A_50 : memref<8192xf32, #tpu.memory_space<hbm>>)
      tpu.yield
    }) : () -> ()
    %add3A_40 = arith.constant 524288 : i32
    %add3A_41 = arith.addi %add3A_40, %mul3A_2 : i32
    "tpu.region"() ({
      %run_scoped3A = tpu.sem_alloc : memref<!tpu.dma_semaphore, #tpu.memory_space<semaphore_mem>>
      %dma_start3A_42 = arith.constant 16384 : i32
      %dma_start3A_43 = tpu.memref_slice %arg6[%dma_start3A_42] : memref<24576xf32, #tpu.memory_space<vmem>> -> memref<8192xf32, #tpu.memory_space<vmem>>
      %dma_start3A_44 = tpu.memref_slice %arg5[%add3A_41] : memref<786432xf32, #tpu.memory_space<hbm>> -> memref<8192xf32, #tpu.memory_space<hbm>>
      %dma_start3A_45 = tpu.memref_slice %arg5[%add3A_41] : memref<786432xf32, #tpu.memory_space<hbm>> -> memref<8192xf32, #tpu.memory_space<hbm>>
      %dma_start3A_46 = arith.constant 16384 : i32
      %dma_start3A_47 = tpu.memref_slice %arg6[%dma_start3A_46] : memref<24576xf32, #tpu.memory_space<vmem>> -> memref<8192xf32, #tpu.memory_space<vmem>>
      tpu.enqueue_dma source(%dma_start3A_47 : memref<8192xf32, #tpu.memory_space<vmem>>) target(%dma_start3A_45 : memref<8192xf32, #tpu.memory_space<hbm>>) target_semaphore(%run_scoped3A : memref<!tpu.dma_semaphore, #tpu.memory_space<semaphore_mem>>)
      %dma_wait3A = arith.constant 16384 : i32
      %dma_wait3A_48 = tpu.memref_slice %arg6[%dma_wait3A] : memref<24576xf32, #tpu.memory_space<vmem>> -> memref<8192xf32, #tpu.memory_space<vmem>>
      %dma_wait3A_49 = tpu.memref_slice %arg5[%add3A_41] : memref<786432xf32, #tpu.memory_space<hbm>> -> memref<8192xf32, #tpu.memory_space<hbm>>
      %dma_wait3A_50 = tpu.memref_slice %arg5[%add3A_41] : memref<786432xf32, #tpu.memory_space<hbm>> -> memref<8192xf32, #tpu.memory_space<hbm>>
      %dma_wait3A_51 = arith.constant 16384 : i32
      %dma_wait3A_52 = tpu.memref_slice %arg6[%dma_wait3A_51] : memref<24576xf32, #tpu.memory_space<vmem>> -> memref<8192xf32, #tpu.memory_space<vmem>>
      tpu.wait_dma2 semaphore(%run_scoped3A : memref<!tpu.dma_semaphore, #tpu.memory_space<semaphore_mem>>) src(%dma_wait3A_52 : memref<8192xf32, #tpu.memory_space<vmem>>) dst(%dma_wait3A_50 : memref<8192xf32, #tpu.memory_space<hbm>>)
      tpu.yield
    }) : () -> ()
    return
  }
}

module attributes {stable_mosaic.version = 14 : i64} {
  func.func @_project_body(%arg0: i32, %arg1: memref<16xf32, #tpu.memory_space<smem>>, %arg2: memref<8x8xf32, #tpu.memory_space<vmem>>, %arg3: memref<8x8192xf32, #tpu.memory_space<vmem>>, %arg4: memref<1x8192xi32, #tpu.memory_space<vmem>>) attributes {dimension_semantics = [#tpu.dimension_semantics<arbitrary>], iteration_bounds = array<i64: 8>, scalar_prefetch = 0 : i64, scratch_operands = 0 : i64, tpu.core_type = #tpu.core_type<tc>, window_params = [{transform_indices = @transform_0, window_bounds = array<i64: 16>}, {pipeline_mode = #tpu.pipeline_mode<synchronous>, transform_indices = @transform_1, window_bounds = array<i64: 8, 8>}, {transform_indices = @transform_2, window_bounds = array<i64: 8, 8192>}, {transform_indices = @transform_3, window_bounds = array<i64: 1, 8192>}]} {
    %get3A = arith.constant 0 : index
    %get3A_0 = arith.constant 0 : index
    %get3A_1 = vector.load %arg2[%get3A, %get3A_0] : memref<8x8xf32, #tpu.memory_space<vmem>>, vector<8x8xf32>
    %get3A_2 = arith.constant 0 : index
    %get3A_3 = arith.constant 0 : index
    %get3A_4 = vector.load %arg3[%get3A_2, %get3A_3] : memref<8x8192xf32, #tpu.memory_space<vmem>>, vector<8x8192xf32>
    %dot_general3A = arith.constant dense<0.000000e+00> : vector<8x8192xf32>
    %dot_general3A_5 = tpu.matmul %get3A_1, %get3A_4, %dot_general3A {dimension_numbers = #tpu.dot_dimension_numbers<[1], [0], [0], [1], [0, 0, 1, 1], [], []>, transpose_lhs_hint = false} : vector<8x8xf32>, vector<8x8192xf32>, vector<8x8192xf32> -> vector<8x8192xf32>
    %get3A_6 = arith.constant 9 : index
    %get3A_7 = memref.load %arg1[%get3A_6] : memref<16xf32, #tpu.memory_space<smem>>
    %get3A_8 = arith.constant 10 : index
    %get3A_9 = memref.load %arg1[%get3A_8] : memref<16xf32, #tpu.memory_space<smem>>
    %get3A_10 = arith.constant 11 : index
    %get3A_11 = memref.load %arg1[%get3A_10] : memref<16xf32, #tpu.memory_space<smem>>
    %get3A_12 = arith.constant 12 : index
    %get3A_13 = memref.load %arg1[%get3A_12] : memref<16xf32, #tpu.memory_space<smem>>
    %get3A_14 = arith.constant 13 : index
    %get3A_15 = memref.load %arg1[%get3A_14] : memref<16xf32, #tpu.memory_space<smem>>
    %get3A_16 = arith.constant 14 : index
    %get3A_17 = memref.load %arg1[%get3A_16] : memref<16xf32, #tpu.memory_space<smem>>
    %get3A_18 = arith.constant 15 : index
    %get3A_19 = memref.load %arg1[%get3A_18] : memref<16xf32, #tpu.memory_space<smem>>
    %slice3A = vector.extract_strided_slice %dot_general3A_5 {offsets = [0, 0], sizes = [1, 8192], strides = [1, 1]} : vector<8x8192xf32> to vector<1x8192xf32>
    %add3A = vector.broadcast %get3A_7 : f32 to vector<1x8192xf32>
    %add3A_20 = arith.addf %slice3A, %add3A : vector<1x8192xf32>
    %slice3A_21 = vector.extract_strided_slice %dot_general3A_5 {offsets = [1, 0], sizes = [1, 8192], strides = [1, 1]} : vector<8x8192xf32> to vector<1x8192xf32>
    %add3A_22 = vector.broadcast %get3A_9 : f32 to vector<1x8192xf32>
    %add3A_23 = arith.addf %slice3A_21, %add3A_22 : vector<1x8192xf32>
    %slice3A_24 = vector.extract_strided_slice %dot_general3A_5 {offsets = [2, 0], sizes = [1, 8192], strides = [1, 1]} : vector<8x8192xf32> to vector<1x8192xf32>
    %add3A_25 = vector.broadcast %get3A_11 : f32 to vector<1x8192xf32>
    %add3A_26 = arith.addf %slice3A_24, %add3A_25 : vector<1x8192xf32>
    %mul3A = vector.broadcast %get3A_13 : f32 to vector<1x8192xf32>
    %mul3A_27 = arith.mulf %mul3A, %add3A_20 : vector<1x8192xf32>
    %div3A = arith.divf %mul3A_27, %add3A_26 : vector<1x8192xf32>
    %add3A_28 = vector.broadcast %get3A_17 : f32 to vector<1x8192xf32>
    %add3A_29 = arith.addf %div3A, %add3A_28 : vector<1x8192xf32>
    %mul3A_30 = vector.broadcast %get3A_15 : f32 to vector<1x8192xf32>
    %mul3A_31 = arith.mulf %mul3A_30, %add3A_23 : vector<1x8192xf32>
    %div3A_32 = arith.divf %mul3A_31, %add3A_26 : vector<1x8192xf32>
    %add3A_33 = vector.broadcast %get3A_19 : f32 to vector<1x8192xf32>
    %add3A_34 = arith.addf %div3A_32, %add3A_33 : vector<1x8192xf32>
    %lt3A = arith.constant 0.000000e+00 : f32
    %lt3A_35 = vector.broadcast %lt3A : f32 to vector<1x8192xf32>
    %lt3A_36 = arith.cmpf olt, %add3A_29, %lt3A_35 : vector<1x8192xf32>
    %ceil3A = math.ceil %add3A_29 : vector<1x8192xf32>
    %floor3A = math.floor %add3A_29 : vector<1x8192xf32>
    %select_n3A = arith.select %lt3A_36, %ceil3A, %floor3A : vector<1x8192xi1>, vector<1x8192xf32>
    %lt3A_37 = arith.constant 0.000000e+00 : f32
    %lt3A_38 = vector.broadcast %lt3A_37 : f32 to vector<1x8192xf32>
    %lt3A_39 = arith.cmpf olt, %add3A_34, %lt3A_38 : vector<1x8192xf32>
    %ceil3A_40 = math.ceil %add3A_34 : vector<1x8192xf32>
    %floor3A_41 = math.floor %add3A_34 : vector<1x8192xf32>
    %select_n3A_42 = arith.select %lt3A_39, %ceil3A_40, %floor3A_41 : vector<1x8192xi1>, vector<1x8192xf32>
    %ge3A = arith.constant 0.000000e+00 : f32
    %ge3A_43 = vector.broadcast %ge3A : f32 to vector<1x8192xf32>
    %ge3A_44 = arith.cmpf oge, %select_n3A, %ge3A_43 : vector<1x8192xf32>
    %lt3A_45 = arith.constant 5.120000e+02 : f32
    %lt3A_46 = vector.broadcast %lt3A_45 : f32 to vector<1x8192xf32>
    %lt3A_47 = arith.cmpf olt, %select_n3A, %lt3A_46 : vector<1x8192xf32>
    %and3A = arith.andi %ge3A_44, %lt3A_47 : vector<1x8192xi1>
    %ge3A_48 = arith.constant 0.000000e+00 : f32
    %ge3A_49 = vector.broadcast %ge3A_48 : f32 to vector<1x8192xf32>
    %ge3A_50 = arith.cmpf oge, %select_n3A_42, %ge3A_49 : vector<1x8192xf32>
    %and3A_51 = arith.andi %and3A, %ge3A_50 : vector<1x8192xi1>
    %lt3A_52 = arith.constant 5.120000e+02 : f32
    %lt3A_53 = vector.broadcast %lt3A_52 : f32 to vector<1x8192xf32>
    %lt3A_54 = arith.cmpf olt, %select_n3A_42, %lt3A_53 : vector<1x8192xf32>
    %and3A_55 = arith.andi %and3A_51, %lt3A_54 : vector<1x8192xi1>
    %jit3A = arith.constant 0.000000e+00 : f32
    %broadcast_in_dim3A = vector.broadcast %jit3A : f32 to vector<1x8192xf32>
    %select_n3A_56 = arith.select %and3A_55, %select_n3A, %broadcast_in_dim3A : vector<1x8192xi1>, vector<1x8192xf32>
    %convert_element_type3A = arith.fptosi %select_n3A_56 : vector<1x8192xf32> to vector<1x8192xi32>
    %jit3A_57 = arith.constant 0.000000e+00 : f32
    %broadcast_in_dim3A_58 = vector.broadcast %jit3A_57 : f32 to vector<1x8192xf32>
    %select_n3A_59 = arith.select %and3A_55, %select_n3A_42, %broadcast_in_dim3A_58 : vector<1x8192xi1>, vector<1x8192xf32>
    %convert_element_type3A_60 = arith.fptosi %select_n3A_59 : vector<1x8192xf32> to vector<1x8192xi32>
    %mul3A_61 = arith.constant 512 : i32
    %mul3A_62 = vector.broadcast %mul3A_61 : i32 to vector<1x8192xi32>
    %mul3A_63 = arith.muli %convert_element_type3A_60, %mul3A_62 : vector<1x8192xi32>
    %add3A_64 = arith.addi %mul3A_63, %convert_element_type3A : vector<1x8192xi32>
    %jit3A_65 = arith.constant 1048576 : i32
    %broadcast_in_dim3A_66 = vector.broadcast %jit3A_65 : i32 to vector<1x8192xi32>
    %select_n3A_67 = arith.select %and3A_55, %add3A_64, %broadcast_in_dim3A_66 : vector<1x8192xi1>, vector<1x8192xi32>
    %swap3A = arith.constant 0 : index
    %swap3A_68 = arith.constant 0 : index
    %swap3A_69 = vector.load %arg4[%swap3A, %swap3A_68] : memref<1x8192xi32, #tpu.memory_space<vmem>>, vector<1x8192xi32>
    tpu.vector_store %arg4[%swap3A, %swap3A_68], %select_n3A_67 {strides = array<i32>} : memref<1x8192xi32, #tpu.memory_space<vmem>>, vector<1x8192xi32>,
    return
  }
  func.func @transform_0(%arg0: i32) -> i32 {
    %c0_i32 = arith.constant 0 : i32
    %c0_i32_0 = arith.constant 0 : i32
    return %c0_i32 : i32
  }
  func.func @transform_1(%arg0: i32) -> (i32, i32) {
    %c0_i32 = arith.constant 0 : i32
    %c0_i32_0 = arith.constant 0 : i32
    %c0_i32_1 = arith.constant 0 : i32
    return %c0_i32, %c0_i32_0 : i32, i32
  }
  func.func @transform_2(%arg0: i32) -> (i32, i32) {
    %c0_i32 = arith.constant 0 : i32
    %c0_i32_0 = arith.constant 0 : i32
    return %c0_i32, %arg0 : i32, i32
  }
  func.func @transform_3(%arg0: i32) -> (i32, i32) {
    %c0_i32 = arith.constant 0 : i32
    %c0_i32_0 = arith.constant 0 : i32
    return %c0_i32, %arg0 : i32, i32
  }
}

</mosaic_0001>

<sc_bundles>
// kernel: kernel.4.cloned.1.call-start
scs
__scs_entry_jumppad:
0x0: {  	(pc) =	sbr.rel $0x88, $3  }
0x1: {  	(tag) =	ssettag $0x0;
	lr =	simm.s32 $0x1  }
0x2: {  	[smem:$0x3F9D] =	sst lr;
	_ =	strace $0xD0000000  }
0x3: {  	_ = 	snop  }
0x4: {  	_ = 	snop  }
0x5: {  	_ = 	snop  }
0x6: {  	_ = 	snop  }
0x7: {  	_ = 	snop  }
__scs_overlays_trampoline_lowered:
0x8: {  	[smem:$0x3FAC] =	sst s0  }
0x9: {  	[smem:$0x3FAD] =	sst s1  }
0xa: {  	[smem:$0x3FAE] =	sst s2  }
0xb: {  	[smem:$0x3FAF] =	sst s3  }
0xc: {  	[smem:$0x3FB0] =	sst s4  }
0xd: {  	[smem:$0x3FB1] =	sst s5  }
0xe: {  	[smem:$0x3FB2] =	sst s6  }
0xf: {  	[smem:$0x3FB3] =	sst s7  }
0x10: {  	[smem:$0x3FB4] =	sst s8  }
0x11: {  	[smem:$0x3FB5] =	sst s9;
	s0 =	simm.s32 @!p0 $0x0  }
0x12: {  	s1 =	sld [smem:$0x3F9B];
	s0 =	simm.s32 @p0 $0x1  }
0x13: {  	[smem:$0x3FB6] =	sst s0;
	s0 =	simm.s32 @!p1 $0x0  }
0x14: {  	s2 =	sld [smem:$0x3F9A];
	s0 =	simm.s32 @p1 $0x1  }
0x15: {  	[smem:$0x3FB7] =	sst s0;
	s0 =	simm.s32 @!p2 $0x0  }
0x16: {  	s3 =	sld [smem:$0x3FDB];
	s0 =	simm.s32 @p2 $0x1  }
0x17: {  	s4 =	simm.s32 $0x1BF5;
	[smem:$0x3FB9] =	sst s0  }
0x18: {  	s0 =	sld [smem:$0x3F9C];
	_ =	swait.ge [sflag:s4], $0x0  }
0x19: {  	s7 =	sld [smem:$0x3F9D]  }
0x1a: {  	s8 =	sadd.s32 $0xFFFFE003, lr  }
0x1b: {  	s9 =	sadd.s32 $0xFFFFFEF7, lr;
	s5 =	simm.s32 $0xFFFFFFFF;
	p2 =	slt.u32 s8, $0xFFFFF086  }
0x1c: {  	p1 =	slt.u32 s9, $0xF7A;
	s5 =	simm.s32 @!p2 $0x0  }
0x1d: {  	s5 =	simm.s32 @p1 $0x1;
	p0 =	seq.s32 s7, s2  }
0x1e: {  	s7 =	smul.u32 @!p0 $0xF7A, s2;
	p2 =	seq.s32 @!p0 s5, $0x0  }
0x1f: {  	s9 =	smul.u32 $0xF7A, s1;
	s8 =	simm.s32 @!p0 $0x1BF5;
	p2 =	por !p2, p0  }
0x20: {  	[sflag:s8] =	ssyncset.s32 @!p0 $0xFFFFF086;
	s6 =	sadd.s32 @!p0 s3, s7;
	s7 =	simm.s32 @!p0 $0x108  }
0x21: {  	s3 =	sadd.s32 s3, s9;
	s6 =	sadd.s32 @!p0 $0x88, s6;
	s7 =	simm.s32 @p2 $0x1082  }
0x22: {  	[simem:s7], [sflag:s8] =	dma.local @!p0 [hbm:s6], $0xF7A  }
0x23: {  	s9 =	sor.u32 $0xD0000000, s2;
	s6 =	simm.s32 $0x108;
	_ =	swait.ge @!p0 [sflag:s8], $0x0  }
0x24: {  	s3 =	sadd.s32 $0x88, s3;
	s6 =	simm.s32 @!p1 $0x1082;
	[sflag:s4] =	ssyncset.s32 $0xFFFFF086  }
0x25: {  	[simem:s6], [sflag:s4] =	dma.local [hbm:s3], $0xF7A  }
0x26: {  	[smem:$0x3F9D] =	sst s1;
	(tag) =	ssettag s2;
	_ =	strace s9  }
0x27: {  	s1 =	sld [smem:$0x3FAD]  }
0x28: {  	s2 =	sld [smem:$0x3FAE]  }
0x29: {  	s4 =	sld [smem:$0x3FB0]  }
0x2a: {  	p0 =	seq.s32 s5, $0x0;
	s5 =	sld [smem:$0x3FB1]  }
0x2b: {  	s6 =	sld [smem:$0x3FB2]  }
0x2c: {  	s7 =	sld [smem:$0x3FB3]  }
0x2d: {  	s3 =	simm.s32 $0x108;
	s8 =	sld [smem:$0x3FB4]  }
0x2e: {  	s3 =	simm.s32 @!p0 $0x1082;
	s9 =	sld [smem:$0x3FB5]  }
0x2f: {  	lr =	sadd.s32 s0, s3;
	s0 =	sld [smem:$0x3FAC]  }
0x30: {  	s3 =	sld [smem:$0x3FAF]  }
0x31: {  	[smem:$0x3FB8] =	sst s10  }
0x32: {  	s10 =	sld [smem:$0x3FB6];
	_ =	sdelay $0x3  }
0x33: {  	p0 =	seq.s32 s10, $0x1;
	s10 =	sld [smem:$0x3FB8];
	_ =	sdelay $0x3  }
0x34: {  	[smem:$0x3FB8] =	sst s10  }
0x35: {  	s10 =	sld [smem:$0x3FB7];
	_ =	sdelay $0x3  }
0x36: {  	p1 =	seq.s32 s10, $0x1;
	s10 =	sld [smem:$0x3FB8];
	_ =	sdelay $0x3  }
0x37: {  	[smem:$0x3FB8] =	sst s10  }
0x38: {  	s10 =	sld [smem:$0x3FB9]  }
0x39: {  	_ = 	snop;
	(pc) =	sbr.ind lr, $3  }
0x3a: {  	_ = 	snop  }
0x3b: {  	_ = 	snop  }
0x3c: {  	p2 =	seq.s32 s10, $0x1;
	s10 =	sld [smem:$0x3FB8]  }
0x3d: {  	_ =	shalt  }
0x3e: {  	_ =	shalt  }
0x3f: {  	_ =	shalt  }
0x40: {  	_ =	shalt  }
0x41: {  	_ =	shalt  }
0x42: {  	_ =	shalt  }
0x43: {  	_ =	shalt  }
0x44: {  	_ =	shalt  }
0x45: {  	_ =	shalt  }
0x46: {  	_ =	shalt  }
0x47: {  	_ =	shalt  }
0x48: {  	_ =	shalt  }
0x49: {  	_ =	shalt  }
0x4a: {  	_ =	shalt  }
0x4b: {  	_ =	shalt  }
0x4c: {  	_ =	shalt  }
0x4d: {  	_ =	shalt  }
0x4e: {  	_ =	shalt  }
0x4f: {  	_ =	shalt  }
0x50: {  	_ =	shalt  }
0x51: {  	_ =	shalt  }
0x52: {  	_ =	shalt  }
0x53: {  	_ =	shalt  }
0x54: {  	_ =	shalt  }
0x55: {  	_ =	shalt  }
0x56: {  	_ =	shalt  }
0x57: {  	_ =	shalt  }
0x58: {  	_ =	shalt  }
0x59: {  	_ =	shalt  }
0x5a: {  	_ =	shalt  }
0x5b: {  	_ =	shalt  }
0x5c: {  	_ =	shalt  }
0x5d: {  	_ =	shalt  }
0x5e: {  	_ =	shalt  }
0x5f: {  	_ =	shalt  }
0x60: {  	_ =	shalt  }
0x61: {  	_ =	shalt  }
0x62: {  	_ =	shalt  }
0x63: {  	_ =	shalt  }
0x64: {  	_ =	shalt  }
0x65: {  	_ =	shalt  }
0x66: {  	_ =	shalt  }
0x67: {  	_ =	shalt  }
0x68: {  	_ =	shalt  }
0x69: {  	_ =	shalt  }
0x6a: {  	_ =	shalt  }
0x6b: {  	_ =	shalt  }
0x6c: {  	_ =	shalt  }
0x6d: {  	_ =	shalt  }
0x6e: {  	_ =	shalt  }
0x6f: {  	_ =	shalt  }
0x70: {  	_ =	shalt  }
0x71: {  	_ =	shalt  }
0x72: {  	_ =	shalt  }
0x73: {  	_ =	shalt  }
0x74: {  	_ =	shalt  }
0x75: {  	_ =	shalt  }
0x76: {  	_ =	shalt  }
0x77: {  	_ =	shalt  }
0x78: {  	_ =	shalt  }
0x79: {  	_ =	shalt  }
0x7a: {  	_ =	shalt  }
0x7b: {  	_ =	shalt  }
0x7c: {  	_ =	shalt  }
0x7d: {  	_ =	shalt  }
0x7e: {  	_ =	shalt  }
0x7f: {  	_ =	shalt  }
0x80: {  	_ =	shalt  }
0x81: {  	_ =	shalt  }
0x82: {  	_ =	shalt  }
0x83: {  	_ =	shalt  }
0x84: {  	_ =	shalt  }
0x85: {  	_ =	shalt  }
0x86: {  	_ =	shalt  }
0x87: {  	_ =	shalt  }
.Lfunc_end0:
.L_simem_size_0:
called_computation_lowered:
.L_overlay_start_0:
0x88: {  	s2 =	sld [smem:$0x3FD9]  }
0x89: {  	s3 =	sld [smem:$0x3FFE];
	_ =	sdelay $0x1  }
0x8a: {  	s1 =	srdreg.scid  }
0x8b: {  	s0 =	sand.u32 $0x1, s1  }
0x8c: {  	s17 =	sshll.u32 s0, $0xA;
	s2 =	sadd.s32 s3, s2  }
0x8d: {  	s2 =	sadd.s32 s2, s17  }
0x8e: {  	[smem:$0x3FC4] =	sst s2  }
0x8f: {  	_ = 	snop  }
0x90: {  	s2 =	sld [smem:$0x3FD0];
	(tm) =	ssettm $0x1  }
0x91: {  	s18 =	sld [smem:$0x3FFB];
	_ =	sdelay $0x3  }
0x92: {  	_ =	strace s18  }
0x93: {  	s3 =	sld [smem:$0x3FFC];
	_ =	sdelay $0x3  }
0x94: {  	_ =	strace s3  }
0x95: {  	s3 =	sld [smem:$0x3FFD];
	_ =	sdelay $0x3  }
0x96: {  	_ =	strace s3  }
0x97: {  	_ =	strace $0x8FFFFFFF  }
0x98: {  	s19 =	sld [smem:$0x3FDB];
	_ =	sdelay $0x1  }
0x99: {  	s4 =	simm.s32 $_scs_section_size  }
0x9a: {  	s5 =	simm.s32 $_size__tile_overlayer_lowered;
	s6 =	simm.s32 $_tile_overlayer_lowered  }
0x9b: {  	s22 =	simm.s32 $0x1BFF;
	s21 =	sshll.u32 s6, $0x1;
	s3 =	sadd.s32 s4, s19  }
0x9c: {  	s7 =	simm.s32 $0x0;
	s20 =	sshll.u32 s5, $0x1;
	s5 =	sadd.s32 s21, s3  }
0x9d: {  	[timem:s7], [sflag:s22] =	dma.local [hbm:s5], s20  }
0x9e: {  	_ =	swait.ge [sflag:s22], s20  }
0x9f: {  	s4 =	ssub.s32 $0x0, s20;
	[sflag:s22] =	ssyncset.done $0x0  }
0xa0: {  	[sflag:s22] =	ssyncadd.s32 s4;
	_ =	sdelay $0x1  }
0xa1: {  	s23 =	simm.s32 $0x1B8B  }
0xa2: {  	_ =	swait.ge [sflag:s23], $0x1  }
0xa3: {  	[sflag:s23] =	ssyncset.done $0x0  }
0xa4: {  	s25 =	simm.s32 $0x1B8E;
	s24 =	sld [smem:$0x3FFE];
	[sflag:s23] =	ssyncadd.s32 $0xFFFFFFFF  }
0xa5: {  	s26 =	simm.s32 $execute0_lowered;
	[smem:$0x3FD2] =	sst s25  }
0xa6: {  	s5 =	sshll.u32 s26, $0x1;
	_ =	strace $0x80000046;
	[dreg:$0x1] =	wrdreg $0xFFFFFFFF  }
0xa7: {  	s28 =	simm.s32 $_size_execute0_lowered;
	s3 =	sadd.s32 s3, s5;
	[dreg:$0x0] =	wrdreg $0x0  }
0xa8: {  	s5 =	sshll.u32 s28, $0x1;
	[dreg:$0x2] =	wrdreg s3  }
0xa9: {  	[dreg:$0x3] =	wrdreg s5  }
0xaa: {  	[dreg:$0x4] =	wrdreg $0xC0  }
0xab: {  	_ =	task [dreg:s7], $0x5FFFF  }
0xac: {  	[dreg:$0x1] =	wrdreg $0xFFFFFFFF  }
0xad: {  	[dreg:$0x0] =	wrdreg $0x60  }
0xae: {  	[dreg:$0x2] =	wrdreg s24  }
0xaf: {  	[dreg:$0x3] =	wrdreg s2  }
0xb0: {  	[dreg:$0x4] =	wrdreg $0x9  }
0xb1: {  	_ =	task.clear_ibuf [dreg:s7], $0x5FFFF;
	_ =	strace $0x90000046  }
0xb2: {  	s29 =	simm.s32 $0x9;
	_ =	strace $0x80000048  }
0xb3: {  	_ =	swait.ge [sflag:s29], $0x1  }
0xb4: {  	[sflag:s29] =	ssyncadd.s32 $0xFFFFFFFF  }
0xb5: {  	_ =	strace $0x90000048  }
0xb6: {  	_ =	sfence  }
0xb7: {  	s30 =	sld [smem:$0x0];
	_ =	sdelay $0x2  }
0xb8: {  	s31 =	sshll.u32 s1, $0xD;
	s1 =	sshrl.u32 s1, $0x2  }
0xb9: {  	s3 =	sand.u32 $0x4000, s31;
	s1 =	sadd.s32 s1, s30  }
0xba: {  	s0 =	sor.u32 s3, s0;
	s1 =	sshll.u32 s1, $0x11  }
0xbb: {  	s0 =	sor.u32 s1, s0  }
0xbc: {  	s0 =	sadd.s32 $0x8F2B, s0  }
0xbd: {  	[sflag:s0] =	ssyncadd.remote.s32 $0x1  }
0xbe: {  	_ =	sfence.sel $0xFFFF  }
0xbf: {  	[dreg:$0x0] =	wrdreg $0xFFFFFFFF;
	(pc) =	sbr.abs _section_cstart, $3  }
0xc0: {  	[dreg:$0x1] =	wrdreg $0xFFFFFFFF  }
0xc1: {  	_ =	task.clear_ibuf [dreg:s7], $0x2FFFF;
	_ =	strace $0x9FFFFFFF  }
0xc2: {  	(tm) =	ssettm $0x7FFFFFFF  }
0xc3: {  	_ =	shalt  }
tec
execute0_lowered:
.L_overlay_start_1:
0x0: {  	(tag) =	ssettag $0x1  }
0x1: {  	s6 =	rddreg [dreg:$0x0]  }
0x2: {  	s1 =	rddreg [dreg:$0x1];
	s3 =	simm.s32 $0x0;
	s4 =	srdreg.scid  }
0x3: {  	s0 =	stileid.u32;
	s15 =	simm.s32 $0x8000;
	s16 =	simm.s32 $0x9000  }
0x4: {  	s17 =	simm.s32 $0xA000;
	s18 =	simm.s32 $0x3;
	s19 =	simm.s32 $0x1  }
0x5: {  	s20 =	simm.s32 $0x7000;
	s21 =	simm.s32 $0xB000;
	s22 =	simm.s32 $0xC000  }
0x6: {  	s23 =	simm.s32 $0xD000;
	s24 =	simm.s32 $0x2;
	s26 =	simm.s32 $0x4000  }
0x7: {  	s28 =	simm.s32 $0x0;
	[smem:$0x7FF] =	sst s3;
	s5 =	sand.u32 $0x1, s4  }
0x8: {  	s7 =	sshll.u32 s0, $0xE;
	s4 =	sadd.s32 $0xA00, s6;
	_ =	strace $0x80000047  }
0x9: {  	s8 =	sshll.u32 s5, $0xD;
	s31 =	ssub.s32 $0x2, s5;
	s5 =	sadd.s32 $0x2A00, s6  }
.Ltmp0:
0xa: {  	s25 =	sor.u32 s8, s7;
	s9 =	sshrl.u32 s31, $0x1;
	(pc) =	sbr.rel .LBB2_1-.Ltmp0, $4  }
0xb: {  	s7 =	sadd.s32 $0x4000, s1;
	s8 =	sshrl.u32 s25, $0x3;
	s13 =	ssub.s32 s31, s9  }
0xc: {  	s9 =	sadd.s32 $0x4200, s1;
	v0 =	vmov s25;
	s25 =	simm.s32 $0x2000;
	s12 =	sadd.s32 s8, s6  }
0xd: {  	s6 =	sadd.s32 $0x2000, s1;
	s8 =	sadd.s32 $0x2200, s1;
	s13 =	smax.u32 s13, $0x1  }
0xe: {  	s10 =	sadd.s32 $0x3600, s12;
	s11 =	sadd.s32 $0xB600, s12;
	s12 =	sadd.s32 $0x13600, s12  }
.LBB2_11:
0xf: {  	[hbm4b:s10+s3] =	stream.linear.scatter [tilespmem:s3], [sflag:$0x3], $0x2000, $0x38;
	[tilespmem:$0xE000] =	vst v63  }
0x10: {  	_ =	swait.ge [sflag:s18], $0x2000  }
0x11: {  	[sflag:s18] =	ssyncset.done $0x0  }
0x12: {  	[sflag:s18] =	ssyncadd.s32 $0xFFFFE000  }
0x13: {  	[hbm4b:s11+s3] =	stream.linear.scatter [tilespmem:s25], [sflag:$0x3], $0x2000, $0x38;
	[tilespmem:$0xE000] =	vst v63  }
0x14: {  	s28 =	sadd.s32 $0x1, s28;
	_ =	swait.ge [sflag:s18], $0x2000  }
0x15: {  	p0 =	sne.s32 s28, s13;
	[sflag:s18] =	ssyncset.done $0x0  }
.Ltmp1:
0x16: {  	[sflag:s18] =	ssyncadd.s32 $0xFFFFE000;
	(pc) =	sbr.rel @!p0 .LBB2_12-.Ltmp1, $4  }
0x17: {  	[hbm4b:s12+s3] =	stream.linear.scatter [tilespmem:s26], [sflag:$0x3], $0x2000, $0x38;
	[tilespmem:$0xE000] =	vst v63  }
0x18: {  	_ =	swait.ge [sflag:s18], $0x2000  }
0x19: {  	[sflag:s18] =	ssyncset.done $0x0  }
0x1a: {  	[sflag:s18] =	ssyncadd.s32 $0xFFFFE000  }
.LBB2_1:
0x1b: {  	s0 =	simm.s32 $0x6000  }
0x1c: {  	[tilespmem:s0], [sflag:$0x1] =	stream.linear.gather [hbm4b:s4+s3], $0x1000, $0x38;
	[tilespmem:$0xE000] =	vst v63  }
0x1d: {  	_ = 	snop  }
0x1e: {  	[tilespmem:s15], [sflag:$0x1] =	stream.linear.gather [hbm4b:s1+s3], $0x1000, $0x38;
	[tilespmem:$0xE000] =	vst v63  }
0x1f: {  	_ = 	snop  }
0x20: {  	[tilespmem:s16], [sflag:$0x1] =	stream.linear.gather [hbm4b:s6+s3], $0x1000, $0x38;
	[tilespmem:$0xE000] =	vst v63  }
0x21: {  	_ = 	snop  }
0x22: {  	[tilespmem:s17], [sflag:$0x1] =	stream.linear.gather [hbm4b:s7+s3], $0x1000, $0x38;
	[tilespmem:$0xE000] =	vst v63  }
.Ltmp2:
0x23: {  	_ = 	snop;
	(pc) =	sbr.rel .LBB2_2-.Ltmp2, $4  }
0x24: {  	[tilespmem:s3], [sflag:$0x3] =	stream.linear.gather [hbm4b:s5+s3], $0x6000, $0x38;
	[tilespmem:$0xE000] =	vst v63  }
0x25: {  	_ =	swait.ge [sflag:s18], $0x6000  }
0x26: {  	[sflag:s18] =	ssyncset.done $0x0  }
0x27: {  	s29 =	simm.s32 $0x0;
	[sflag:s18] =	ssyncadd.s32 $0xFFFFA000  }
.LBB2_10:
0x28: {  	s29 =	sadd.s32 $0x1, s29  }
0x29: {  	p0 =	sne.s32 s29, $0x8  }
.Ltmp3:
0x2a: {  	_ = 	snop;
	(pc) =	sbr.rel @!p0 .LBB2_11-.Ltmp3, $1  }
0x2b: {  	_ =	sdelay $0x3  }
.LBB2_2:
0x2c: {  	_ =	swait.ge [sflag:s19], $0x1000  }
0x2d: {  	[sflag:s19] =	ssyncset.done $0x0  }
0x2e: {  	[sflag:s19] =	ssyncadd.s32 $0xFFFFF000  }
0x2f: {  	_ =	swait.ge [sflag:s19], $0x1000  }
0x30: {  	[sflag:s19] =	ssyncset.done $0x0  }
0x31: {  	[sflag:s19] =	ssyncadd.s32 $0xFFFFF000  }
0x32: {  	_ =	swait.ge [sflag:s19], $0x1000  }
0x33: {  	[sflag:s19] =	ssyncset.done $0x0  }
0x34: {  	[sflag:s19] =	ssyncadd.s32 $0xFFFFF000  }
0x35: {  	s31 =	sshll.u32 s29, $0xA;
	_ =	swait.ge [sflag:s19], $0x1000  }
0x36: {  	s0 =	sor.u32 $0x200, s31;
	[sflag:s19] =	ssyncset.done $0x0  }
0x37: {  	s30 =	simm.s32 $0x0;
	s2 =	sadd.s32 s4, s0;
	[sflag:s19] =	ssyncadd.s32 $0xFFFFF000  }
0x38: {  	[tilespmem:s20], [sflag:$0x2] =	stream.linear.gather [hbm4b:s2+s30], $0x1000, $0x38;
	[tilespmem:$0xE000] =	vst v63  }
0x39: {  	s0 =	sadd.s32 s1, s0  }
0x3a: {  	[tilespmem:s21], [sflag:$0x2] =	stream.linear.gather [hbm4b:s0+s30], $0x1000, $0x38;
	[tilespmem:$0xE000] =	vst v63  }
.Ltmp4:
0x3b: {  	_ = 	snop;
	(pc) =	sbr.rel .LBB2_3-.Ltmp4, $4  }
0x3c: {  	s14 =	sadd.s32 s31, s8  }
0x3d: {  	[tilespmem:s22], [sflag:$0x2] =	stream.linear.gather [hbm4b:s14+s30], $0x1000, $0x38;
	[tilespmem:$0xE000] =	vst v63  }
0x3e: {  	s31 =	sadd.s32 s31, s9  }
0x3f: {  	[tilespmem:s23], [sflag:$0x2] =	stream.linear.gather [hbm4b:s31+s30], $0x1000, $0x38;
	[tilespmem:$0xE000] =	vst v63  }
.LBB2_5:
0x40: {  	s30 =	sadd.s32 $0x200, s30  }
0x41: {  	p0 =	sne.s32 s30, $0x4000  }
.Ltmp5:
0x42: {  	_ = 	snop;
	(pc) =	sbr.rel @!p0 .LBB2_6-.Ltmp5, $1  }
0x43: {  	_ =	sdelay $0x3  }
.LBB2_3:
0x44: {  	s31 =	sshra.s32 s30, $0x2  }
0x45: {  	v1 =	vld [tilespmem:s31+$0x6000]  }
0x46: {  	v2 =	vld [tilespmem:s31+$0x6010]  }
0x47: {  	v3 =	vld [tilespmem:s31+$0x6020]  }
0x48: {  	v4 =	vld [tilespmem:s31+$0x6030]  }
0x49: {  	v9 =	vld [tilespmem:s31+$0x6040]  }
0x4a: {  	v10 =	vld [tilespmem:s31+$0x6050]  }
0x4b: {  	v8 =	vsub.s32 v1, v0;
	v7 =	vsub.s32 v2, v0;
	v1 =	vld [tilespmem:s31+$0x6060]  }
0x4c: {  	v11 =	vld [tilespmem:s31+$0x6070];
	v6 =	vsub.s32 v3, v0;
	vm7 =	vlt.u32 v8, $0x2000;
	vm6 =	vlt.u32 v7, $0x2000  }
0x4d: {  	v5 =	vsub.s32 v4, v0;
	vm5 =	vlt.u32 v6, $0x2000;
	vm0 =	vmor vm7, vm6  }
0x4e: {  	v4 =	vsub.s32 v9, v0;
	vm4 =	vlt.u32 v5, $0x2000;
	vm0 =	vmor vm0, vm5  }
0x4f: {  	v3 =	vsub.s32 v10, v0;
	vm3 =	vlt.u32 v4, $0x2000;
	vm0 =	vmor vm0, vm4  }
0x50: {  	vm2 =	vlt.u32 v3, $0x2000;
	v2 =	vsub.s32 v1, v0;
	vm0 =	vmor vm0, vm3  }
0x51: {  	v1 =	vsub.s32 v11, v0;
	vm1 =	vlt.u32 v2, $0x2000;
	vm8 =	vmor vm0, vm2  }
0x52: {  	vm0 =	vlt.u32 v1, $0x2000;
	vm8 =	vmor vm8, vm1  }
0x53: {  	vm8 =	vmor vm8, vm0  }
0x54: {  	v9 =	vmpcnt.ones.xlane vm8;
	_ =	sdelay $0x1  }
0x55: {  	(v2sf) =	vpush v9, $0x0;
	_ =	sdelay $0xe  }
0x56: {  	s0 =	spop (v2sf)  }
0x57: {  	p0 =	slt.s32 s0, $0x1  }
.Ltmp6:
0x58: {  	_ = 	snop;
	(pc) =	sbr.rel @p0 .LBB2_5-.Ltmp6, $1  }
0x59: {  	_ =	sdelay $0x3  }
0x5a: {  	v8 =	vnsel vm7, $0x0, v8;
	v9 =	vld [tilespmem:s31+$0x8000];
	_ =	sdelay $0x4  }
0x5b: {  	[tilespmem:v8+s3+$0x0] =	vst.idx.msk vm7, v9  }
0x5c: {  	v10 =	vadd.s32 $0x2000, v8;
	v9 =	vld [tilespmem:s31+$0x9000];
	_ =	sdelay $0x4  }
0x5d: {  	[tilespmem:v10+s3+$0x0] =	vst.idx.msk vm7, v9  }
0x5e: {  	v8 =	vadd.s32 $0x4000, v8;
	v9 =	vld [tilespmem:s31+$0xA000];
	_ =	sdelay $0x4  }
0x5f: {  	[tilespmem:v8+s3+$0x0] =	vst.idx.msk vm7, v9  }
0x60: {  	v7 =	vnsel vm6, $0x0, v7;
	v8 =	vld [tilespmem:s31+$0x8010];
	_ =	sdelay $0x4  }
0x61: {  	[tilespmem:v7+s3+$0x0] =	vst.idx.msk vm6, v8  }
0x62: {  	v58 =	vadd.s32 $0x2000, v7;
	v8 =	vld [tilespmem:s31+$0x9010];
	_ =	sdelay $0x4  }
0x63: {  	[tilespmem:v58+s3+$0x0] =	vst.idx.msk vm6, v8  }
0x64: {  	v7 =	vadd.s32 $0x4000, v7;
	v8 =	vld [tilespmem:s31+$0xA010];
	_ =	sdelay $0x4  }
0x65: {  	[tilespmem:v7+s3+$0x0] =	vst.idx.msk vm6, v8  }
0x66: {  	v6 =	vnsel vm5, $0x0, v6;
	v7 =	vld [tilespmem:s31+$0x8020];
	_ =	sdelay $0x4  }
0x67: {  	[tilespmem:v6+s3+$0x0] =	vst.idx.msk vm5, v7  }
0x68: {  	v59 =	vadd.s32 $0x2000, v6;
	v7 =	vld [tilespmem:s31+$0x9020];
	_ =	sdelay $0x4  }
0x69: {  	[tilespmem:v59+s3+$0x0] =	vst.idx.msk vm5, v7  }
0x6a: {  	v6 =	vadd.s32 $0x4000, v6;
	v7 =	vld [tilespmem:s31+$0xA020];
	_ =	sdelay $0x4  }
0x6b: {  	[tilespmem:v6+s3+$0x0] =	vst.idx.msk vm5, v7  }
0x6c: {  	v5 =	vnsel vm4, $0x0, v5;
	v6 =	vld [tilespmem:s31+$0x8030];
	_ =	sdelay $0x4  }
0x6d: {  	[tilespmem:v5+s3+$0x0] =	vst.idx.msk vm4, v6  }
0x6e: {  	v60 =	vadd.s32 $0x2000, v5;
	v6 =	vld [tilespmem:s31+$0x9030];
	_ =	sdelay $0x4  }
0x6f: {  	[tilespmem:v60+s3+$0x0] =	vst.idx.msk vm4, v6  }
0x70: {  	v5 =	vadd.s32 $0x4000, v5;
	v6 =	vld [tilespmem:s31+$0xA030];
	_ =	sdelay $0x4  }
0x71: {  	[tilespmem:v5+s3+$0x0] =	vst.idx.msk vm4, v6  }
0x72: {  	v4 =	vnsel vm3, $0x0, v4;
	v5 =	vld [tilespmem:s31+$0x8040];
	_ =	sdelay $0x4  }
0x73: {  	[tilespmem:v4+s3+$0x0] =	vst.idx.msk vm3, v5  }
0x74: {  	v61 =	vadd.s32 $0x2000, v4;
	v5 =	vld [tilespmem:s31+$0x9040];
	_ =	sdelay $0x4  }
0x75: {  	[tilespmem:v61+s3+$0x0] =	vst.idx.msk vm3, v5  }
0x76: {  	v4 =	vadd.s32 $0x4000, v4;
	v5 =	vld [tilespmem:s31+$0xA040];
	_ =	sdelay $0x4  }
0x77: {  	[tilespmem:v4+s3+$0x0] =	vst.idx.msk vm3, v5  }
0x78: {  	v3 =	vnsel vm2, $0x0, v3;
	v4 =	vld [tilespmem:s31+$0x8050];
	_ =	sdelay $0x4  }
0x79: {  	[tilespmem:v3+s3+$0x0] =	vst.idx.msk vm2, v4  }
0x7a: {  	v62 =	vadd.s32 $0x2000, v3;
	v4 =	vld [tilespmem:s31+$0x9050];
	_ =	sdelay $0x4  }
0x7b: {  	[tilespmem:v62+s3+$0x0] =	vst.idx.msk vm2, v4  }
0x7c: {  	v3 =	vadd.s32 $0x4000, v3;
	v4 =	vld [tilespmem:s31+$0xA050];
	_ =	sdelay $0x4  }
0x7d: {  	[tilespmem:v3+s3+$0x0] =	vst.idx.msk vm2, v4  }
0x7e: {  	v2 =	vnsel vm1, $0x0, v2;
	v3 =	vld [tilespmem:s31+$0x8060];
	_ =	sdelay $0x4  }
0x7f: {  	[tilespmem:v2+s3+$0x0] =	vst.idx.msk vm1, v3  }
0x80: {  	v63 =	vadd.s32 $0x2000, v2;
	v3 =	vld [tilespmem:s31+$0x9060];
	_ =	sdelay $0x4  }
0x81: {  	[tilespmem:v63+s3+$0x0] =	vst.idx.msk vm1, v3  }
0x82: {  	v2 =	vadd.s32 $0x4000, v2;
	v3 =	vld [tilespmem:s31+$0xA060];
	_ =	sdelay $0x4  }
0x83: {  	[tilespmem:v2+s3+$0x0] =	vst.idx.msk vm1, v3  }
0x84: {  	v1 =	vnsel vm0, $0x0, v1;
	v2 =	vld [tilespmem:s31+$0x8070];
	_ =	sdelay $0x4  }
0x85: {  	[tilespmem:v1+s3+$0x0] =	vst.idx.msk vm0, v2  }
0x86: {  	v3 =	vadd.s32 $0x2000, v1;
	v2 =	vld [tilespmem:s31+$0x9070];
	_ =	sdelay $0x4  }
0x87: {  	[tilespmem:v3+s3+$0x0] =	vst.idx.msk vm0, v2  }
0x88: {  	v1 =	vadd.s32 $0x4000, v1;
	v2 =	vld [tilespmem:s31+$0xA070]  }
.Ltmp7:
0x89: {  	_ = 	snop;
	(pc) =	sbr.rel .LBB2_5-.Ltmp7, $2  }
0x8a: {  	_ =	sdelay $0x2  }
0x8b: {  	[tilespmem:v1+s3+$0x0] =	vst.idx.msk vm0, v2  }
.LBB2_6:
0x8c: {  	_ =	swait.ge [sflag:s24], $0x1000  }
0x8d: {  	[sflag:s24] =	ssyncset.done $0x0  }
0x8e: {  	[sflag:s24] =	ssyncadd.s32 $0xFFFFF000  }
0x8f: {  	_ =	swait.ge [sflag:s24], $0x1000  }
0x90: {  	[sflag:s24] =	ssyncset.done $0x0  }
0x91: {  	[sflag:s24] =	ssyncadd.s32 $0xFFFFF000  }
0x92: {  	_ =	swait.ge [sflag:s24], $0x1000  }
0x93: {  	p0 =	seq.s32 s29, $0x7;
	[sflag:s24] =	ssyncset.done $0x0  }
0x94: {  	s0 =	sshll.u32 @!p0 s29, $0xA;
	[sflag:s24] =	ssyncadd.s32 $0xFFFFF000  }
0x95: {  	s0 =	sand.u32 @!p0 $0x1FFFFC00, s0;
	_ =	swait.ge [sflag:s24], $0x1000  }
0x96: {  	s31 =	simm.s32 @!p0 $0x0;
	s2 =	sadd.s32 @!p0 $0x400, s0;
	[sflag:s24] =	ssyncset.done $0x0  }
0x97: {  	s14 =	simm.s32 @!p0 $0x6000;
	s30 =	sadd.s32 @!p0 s4, s2;
	[sflag:s24] =	ssyncadd.s32 $0xFFFFF000  }
0x98: {  	[tilespmem:s14], [sflag:$0x1] =	stream.linear.gather @!p0 [hbm4b:s30+s31], $0x1000, $0x38;
	[tilespmem:$0xE000] =	vst v63  }
0x99: {  	s2 =	sadd.s32 @!p0 s1, s2;
	s14 =	simm.s32 @!p0 $0x8000  }
0x9a: {  	[tilespmem:s14], [sflag:$0x1] =	stream.linear.gather @!p0 [hbm4b:s2+s31], $0x1000, $0x38;
	[tilespmem:$0xE000] =	vst v63  }
.Ltmp8:
0x9b: {  	s0 =	sadd.s32 @!p0 s1, s0;
	(pc) =	sbr.rel .LBB2_7-.Ltmp8, $4  }
0x9c: {  	s2 =	sadd.s32 @!p0 $0x2400, s0;
	s14 =	simm.s32 @!p0 $0x9000  }
0x9d: {  	[tilespmem:s14], [sflag:$0x1] =	stream.linear.gather @!p0 [hbm4b:s2+s31], $0x1000, $0x38;
	[tilespmem:$0xE000] =	vst v63  }
0x9e: {  	s30 =	simm.s32 $0x0;
	s0 =	sadd.s32 @!p0 $0x4400, s0;
	s2 =	simm.s32 @!p0 $0xA000  }
0x9f: {  	[tilespmem:s2], [sflag:$0x1] =	stream.linear.gather @!p0 [hbm4b:s0+s31], $0x1000, $0x38;
	[tilespmem:$0xE000] =	vst v63  }
.LBB2_9:
0xa0: {  	s30 =	sadd.s32 $0x200, s30  }
0xa1: {  	p0 =	sne.s32 s30, $0x4000  }
.Ltmp9:
0xa2: {  	_ = 	snop;
	(pc) =	sbr.rel @!p0 .LBB2_10-.Ltmp9, $1  }
0xa3: {  	_ =	sdelay $0x3  }
.LBB2_7:
0xa4: {  	s31 =	sshra.s32 s30, $0x2  }
0xa5: {  	v1 =	vld [tilespmem:s31+$0x7000]  }
0xa6: {  	v2 =	vld [tilespmem:s31+$0x7010]  }
0xa7: {  	v3 =	vld [tilespmem:s31+$0x7020]  }
0xa8: {  	v4 =	vld [tilespmem:s31+$0x7030]  }
0xa9: {  	v9 =	vld [tilespmem:s31+$0x7040]  }
0xaa: {  	v10 =	vld [tilespmem:s31+$0x7050]  }
0xab: {  	v8 =	vsub.s32 v1, v0;
	v7 =	vsub.s32 v2, v0;
	v1 =	vld [tilespmem:s31+$0x7060]  }
0xac: {  	v11 =	vld [tilespmem:s31+$0x7070];
	v6 =	vsub.s32 v3, v0;
	vm7 =	vlt.u32 v8, $0x2000;
	vm6 =	vlt.u32 v7, $0x2000  }
0xad: {  	v5 =	vsub.s32 v4, v0;
	vm5 =	vlt.u32 v6, $0x2000;
	vm0 =	vmor vm7, vm6  }
0xae: {  	v4 =	vsub.s32 v9, v0;
	vm4 =	vlt.u32 v5, $0x2000;
	vm0 =	vmor vm0, vm5  }
0xaf: {  	v3 =	vsub.s32 v10, v0;
	vm3 =	vlt.u32 v4, $0x2000;
	vm0 =	vmor vm0, vm4  }
0xb0: {  	vm2 =	vlt.u32 v3, $0x2000;
	v2 =	vsub.s32 v1, v0;
	vm0 =	vmor vm0, vm3  }
0xb1: {  	v1 =	vsub.s32 v11, v0;
	vm1 =	vlt.u32 v2, $0x2000;
	vm8 =	vmor vm0, vm2  }
0xb2: {  	vm0 =	vlt.u32 v1, $0x2000;
	vm8 =	vmor vm8, vm1  }
0xb3: {  	vm8 =	vmor vm8, vm0  }
0xb4: {  	v9 =	vmpcnt.ones.xlane vm8;
	_ =	sdelay $0x1  }
0xb5: {  	(v2sf) =	vpush v9, $0x0;
	_ =	sdelay $0xe  }
0xb6: {  	s0 =	spop (v2sf)  }
0xb7: {  	p0 =	slt.s32 s0, $0x1  }
.Ltmp10:
0xb8: {  	_ = 	snop;
	(pc) =	sbr.rel @p0 .LBB2_9-.Ltmp10, $1  }
0xb9: {  	_ =	sdelay $0x3  }
0xba: {  	v8 =	vnsel vm7, $0x0, v8;
	v9 =	vld [tilespmem:s31+$0xB000];
	_ =	sdelay $0x4  }
0xbb: {  	[tilespmem:v8+s3+$0x0] =	vst.idx.msk vm7, v9  }
0xbc: {  	v10 =	vadd.s32 $0x2000, v8;
	v9 =	vld [tilespmem:s31+$0xC000];
	_ =	sdelay $0x4  }
0xbd: {  	[tilespmem:v10+s3+$0x0] =	vst.idx.msk vm7, v9  }
0xbe: {  	v8 =	vadd.s32 $0x4000, v8;
	v9 =	vld [tilespmem:s31+$0xD000];
	_ =	sdelay $0x4  }
0xbf: {  	[tilespmem:v8+s3+$0x0] =	vst.idx.msk vm7, v9  }
0xc0: {  	v7 =	vnsel vm6, $0x0, v7;
	v8 =	vld [tilespmem:s31+$0xB010];
	_ =	sdelay $0x4  }
0xc1: {  	[tilespmem:v7+s3+$0x0] =	vst.idx.msk vm6, v8  }
0xc2: {  	v58 =	vadd.s32 $0x2000, v7;
	v8 =	vld [tilespmem:s31+$0xC010];
	_ =	sdelay $0x4  }
0xc3: {  	[tilespmem:v58+s3+$0x0] =	vst.idx.msk vm6, v8  }
0xc4: {  	v7 =	vadd.s32 $0x4000, v7;
	v8 =	vld [tilespmem:s31+$0xD010];
	_ =	sdelay $0x4  }
0xc5: {  	[tilespmem:v7+s3+$0x0] =	vst.idx.msk vm6, v8  }
0xc6: {  	v6 =	vnsel vm5, $0x0, v6;
	v7 =	vld [tilespmem:s31+$0xB020];
	_ =	sdelay $0x4  }
0xc7: {  	[tilespmem:v6+s3+$0x0] =	vst.idx.msk vm5, v7  }
0xc8: {  	v59 =	vadd.s32 $0x2000, v6;
	v7 =	vld [tilespmem:s31+$0xC020];
	_ =	sdelay $0x4  }
0xc9: {  	[tilespmem:v59+s3+$0x0] =	vst.idx.msk vm5, v7  }
0xca: {  	v6 =	vadd.s32 $0x4000, v6;
	v7 =	vld [tilespmem:s31+$0xD020];
	_ =	sdelay $0x4  }
0xcb: {  	[tilespmem:v6+s3+$0x0] =	vst.idx.msk vm5, v7  }
0xcc: {  	v5 =	vnsel vm4, $0x0, v5;
	v6 =	vld [tilespmem:s31+$0xB030];
	_ =	sdelay $0x4  }
0xcd: {  	[tilespmem:v5+s3+$0x0] =	vst.idx.msk vm4, v6  }
0xce: {  	v60 =	vadd.s32 $0x2000, v5;
	v6 =	vld [tilespmem:s31+$0xC030];
	_ =	sdelay $0x4  }
0xcf: {  	[tilespmem:v60+s3+$0x0] =	vst.idx.msk vm4, v6  }
0xd0: {  	v5 =	vadd.s32 $0x4000, v5;
	v6 =	vld [tilespmem:s31+$0xD030];
	_ =	sdelay $0x4  }
0xd1: {  	[tilespmem:v5+s3+$0x0] =	vst.idx.msk vm4, v6  }
0xd2: {  	v4 =	vnsel vm3, $0x0, v4;
	v5 =	vld [tilespmem:s31+$0xB040];
	_ =	sdelay $0x4  }
0xd3: {  	[tilespmem:v4+s3+$0x0] =	vst.idx.msk vm3, v5  }
0xd4: {  	v61 =	vadd.s32 $0x2000, v4;
	v5 =	vld [tilespmem:s31+$0xC040];
	_ =	sdelay $0x4  }
0xd5: {  	[tilespmem:v61+s3+$0x0] =	vst.idx.msk vm3, v5  }
0xd6: {  	v4 =	vadd.s32 $0x4000, v4;
	v5 =	vld [tilespmem:s31+$0xD040];
	_ =	sdelay $0x4  }
0xd7: {  	[tilespmem:v4+s3+$0x0] =	vst.idx.msk vm3, v5  }
0xd8: {  	v3 =	vnsel vm2, $0x0, v3;
	v4 =	vld [tilespmem:s31+$0xB050];
	_ =	sdelay $0x4  }
0xd9: {  	[tilespmem:v3+s3+$0x0] =	vst.idx.msk vm2, v4  }
0xda: {  	v62 =	vadd.s32 $0x2000, v3;
	v4 =	vld [tilespmem:s31+$0xC050];
	_ =	sdelay $0x4  }
0xdb: {  	[tilespmem:v62+s3+$0x0] =	vst.idx.msk vm2, v4  }
0xdc: {  	v3 =	vadd.s32 $0x4000, v3;
	v4 =	vld [tilespmem:s31+$0xD050];
	_ =	sdelay $0x4  }
0xdd: {  	[tilespmem:v3+s3+$0x0] =	vst.idx.msk vm2, v4  }
0xde: {  	v2 =	vnsel vm1, $0x0, v2;
	v3 =	vld [tilespmem:s31+$0xB060];
	_ =	sdelay $0x4  }
0xdf: {  	[tilespmem:v2+s3+$0x0] =	vst.idx.msk vm1, v3  }
0xe0: {  	v63 =	vadd.s32 $0x2000, v2;
	v3 =	vld [tilespmem:s31+$0xC060];
	_ =	sdelay $0x4  }
0xe1: {  	[tilespmem:v63+s3+$0x0] =	vst.idx.msk vm1, v3  }
0xe2: {  	v2 =	vadd.s32 $0x4000, v2;
	v3 =	vld [tilespmem:s31+$0xD060];
	_ =	sdelay $0x4  }
0xe3: {  	[tilespmem:v2+s3+$0x0] =	vst.idx.msk vm1, v3  }
0xe4: {  	v1 =	vnsel vm0, $0x0, v1;
	v2 =	vld [tilespmem:s31+$0xB070];
	_ =	sdelay $0x4  }
0xe5: {  	[tilespmem:v1+s3+$0x0] =	vst.idx.msk vm0, v2  }
0xe6: {  	v3 =	vadd.s32 $0x2000, v1;
	v2 =	vld [tilespmem:s31+$0xC070];
	_ =	sdelay $0x4  }
0xe7: {  	[tilespmem:v3+s3+$0x0] =	vst.idx.msk vm0, v2  }
0xe8: {  	v1 =	vadd.s32 $0x4000, v1;
	v2 =	vld [tilespmem:s31+$0xD070]  }
.Ltmp11:
0xe9: {  	_ = 	snop;
	(pc) =	sbr.rel .LBB2_9-.Ltmp11, $2  }
0xea: {  	_ =	sdelay $0x2  }
0xeb: {  	[tilespmem:v1+s3+$0x0] =	vst.idx.msk vm0, v2  }
.LBB2_12:
0xec: {  	_ =	sfence.sel $0x180000  }
0xed: {  	[bflag:$0x0] =	sbarrier.arrive $0xFFFF  }
0xee: {  	_ =	strace $0x90000047  }
0xef: {  	s0 =	stileid.u32;
	[bflag:$0x2] =	sbarrier.arrive $0xFFFF  }
0xf0: {  	p0 =	sne.s32 s0, $0x0;
	s0 =	rddreg [dreg:$0x2]  }
0xf1: {  	s0 =	sadd.s32 @!p0 $0x100000, s0  }
0xf2: {  	[sflag:s0] =	ssyncadd.tile.s32 @!p0 $0x1;
	_ =	shalt  }
.Lfunc_end2:
_tile_overlayer_lowered:
.L_overlay_start_2:
0xf3: {  	(tag) =	ssettag $0x2  }
0xf4: {  	s0 =	rddreg [dreg:$0x0];
	s2 =	stileid.u32  }
0xf5: {  	s1 =	rddreg [dreg:$0x1];
	p0 =	sne.s32 s2, $0x0  }
0xf6: {  	s3 =	rddreg [dreg:$0x2];
	[bflag:$0x3] =	sbarrier.arrive $0xFFFF;
	s2 =	simm.s32 @!p0 $0x1C03  }
0xf7: {  	[timem:s3], [sflag:s2] =	dma.local @!p0 [hbm:s0], s1  }
0xf8: {  	s0 =	simm.s32 @!p0 $0x3  }
0xf9: {  	_ =	swait.ge @!p0 [sflag:s0], s1  }
0xfa: {  	s1 =	ssub.s32 @!p0 $0x0, s1;
	[sflag:s0] =	ssyncset.done @!p0 $0x0  }
0xfb: {  	[sflag:s0] =	ssyncadd.s32 @!p0 s1  }
0xfc: {  	[bflag:$0x3] =	sbarrier.arrive $0xFFFF  }
0xfd: {  	_ =	shalt  }

</sc_bundles>
